<compile_context>
chip_gen: v7x
topology: tpu7x:2x2x1
jax: 0.10.2.dev20260603
libtpu: 0.0.44.dev20260713+nightly
codegen_flags: <defaults>
</compile_context>

<pallas_src>
import functools

import jax
import jax.numpy as jnp
from jax import lax
from jax.experimental import pallas as pl
from jax.experimental.pallas import tpu as pltpu
from jax.experimental.pallas import tpu_sc as plsc

_D = 128
_V = 100
_B = 320000
_NC = 2
_NS = 16
_NW = _NC * _NS
_BPW = _B // _NW
_C = 80
_NCH = _BPW // _C
_NBUF = 5
_F = 3
_NG = _NCH // _NBUF

_mesh = plsc.VectorSubcoreMesh(core_axis_name="c", subcore_axis_name="s")


@functools.partial(
    pl.kernel,
    out_type=jax.ShapeDtypeStruct((_B, _D), jnp.float32),
    mesh=_mesh,
    scratch_types=(
        [
            pltpu.VMEM((_NCH, _C), jnp.int32),
            pltpu.VMEM_SHARED((_V, _D), jnp.float32),
        ]
        + [pltpu.VMEM((_C, _D), jnp.float32) for _ in range(_NBUF)]
        + [pltpu.SemaphoreType.DMA for _ in range(2 * _NBUF)]
    ),
)
def _pe_gather(idx_hbm, table_hbm, out_hbm, idx_v, table_sh, *bufs_and_sems):
    bufs = bufs_and_sems[:_NBUF]
    sin = bufs_and_sems[_NBUF : 2 * _NBUF]
    sout = bufs_and_sems[2 * _NBUF :]

    sid = lax.axis_index("s")
    wid = sid * _NC + lax.axis_index("c")
    base = wid * _BPW

    @pl.when(sid == 0)
    def _():
        pltpu.sync_copy(table_hbm.at[pl.ds(0, _C)], bufs[0].at[pl.ds(0, _C)])
        pltpu.sync_copy(table_hbm.at[pl.ds(_C, _V - _C)], bufs[1].at[pl.ds(0, _V - _C)])
        pltpu.sync_copy(bufs[0].at[pl.ds(0, _C)], table_sh.at[pl.ds(0, _C)])
        pltpu.sync_copy(bufs[1].at[pl.ds(0, _V - _C)], table_sh.at[pl.ds(_C, _V - _C)])

    pltpu.sync_copy(idx_hbm.at[wid], idx_v)
    plsc.subcore_barrier()

    def gather(j, b):
        pltpu.async_copy(table_sh.at[idx_v.at[j]], bufs[b], sin[b])

    def wait_gather(b):
        pltpu.make_async_copy(out_hbm.at[pl.ds(0, _C)], bufs[b], sin[b]).wait()

    def writeback(j, b):
        pltpu.async_copy(bufs[b], out_hbm.at[pl.ds(base + j * _C, _C)], sout[b])

    def wait_writeback(b):
        pltpu.make_async_copy(bufs[b], out_hbm.at[pl.ds(0, _C)], sout[b]).wait()

    for b in range(_F):
        gather(b, b)

    for b in range(_NBUF):
        jp = b + _F
        if jp < _NBUF:
            gather(jp, jp)
        else:
            bp = jp % _NBUF
            wait_writeback(bp)
            gather(jp, bp)
        wait_gather(b)
        writeback(b, b)

    def group(g, carry):
        for b in range(_NBUF):
            j = g * _NBUF + b
            bp = (b + _F) % _NBUF
            wait_gather(b)
            writeback(j, b)
            wait_writeback(bp)
            gather(j + _F, bp)
        return carry

    lax.fori_loop(1, _NG - 1, group, 0)

    for b in range(_NBUF):
        j = (_NG - 1) * _NBUF + b
        jp = j + _F
        if jp < _NCH:
            bp = (b + _F) % _NBUF
            wait_writeback(bp)
            gather(jp, bp)
        wait_gather(b)
        writeback(j, b)

    for b in range(_NBUF):
        wait_writeback(b)


def kernel(edge_type, pe):
    idx3 = edge_type.astype(jnp.int32).reshape(_NW, _NCH, _C)
    return _pe_gather(idx3, pe)

# --- scband reference (transcript-rebuilt; emitter-appended) ---
"""Pipeline reference for scband-positional-encoding-sine-cosine-25769804011 (READ-ONLY COPY).

The authoritative reference and input builder live on the scoring server;
editing this copy changes nothing except your own understanding.
"""

import jax, jax.numpy as jnp
import numpy as np

D_MODEL = 128
MAX_LEN = 100
N_EDGES = 320000

def make_pe(d_model, max_len):
    position = np.arange(0, max_len, dtype=np.float32)[:, None]
    div_term = np.exp(np.arange(0, d_model, 2).astype(np.float32) * (-np.log(10000.0) / d_model))
    pe = np.zeros((max_len, d_model), dtype=np.float32)
    pe[:, 0::2] = np.sin(position * div_term)
    pe[:, 1::2] = np.cos(position * div_term)
    return jnp.asarray(pe)

def setup_inputs(seed: int = 0) -> dict:
    key = jax.random.key(seed)
    edge_type = jax.random.randint(key, (N_EDGES,), 0, MAX_LEN, dtype=jnp.int64 if jax.config.jax_enable_x64 else jnp.int32)
    pe = make_pe(D_MODEL, MAX_LEN)
    return {"edge_type": edge_type, "pe": pe}

def reference(edge_type, pe):
    # pe[edge_type] : gather rows of the sine-cosine positional table
    return jnp.take(pe, edge_type, axis=0)

if __name__ == "__main__":
    import jax
    _d = setup_inputs()
    print(jax.jit(kernel)(*tuple(_d.values())))

</pallas_src>

<mosaic_0001>
#map = affine_map<(d0, d1) -> (0, 0, 0)>
#map1 = affine_map<(d0, d1) -> (0, 0)>
module attributes {stable_mosaic.version = 14 : i64} {
  func.func @_pe_gather(%arg0: i32, %arg1: i32, %arg2: memref<32x125x80xi32, #tpu.memory_space<hbm>>, %arg3: memref<100x128xf32, #tpu.memory_space<hbm>>, %arg4: memref<320000x128xf32, #tpu.memory_space<hbm>>, %arg5: memref<125x80xi32, #tpu.memory_space<vmem>>, %arg6: memref<100x128xf32, #tpu.memory_space<vmem_shared>>, %arg7: memref<80x128xf32, #tpu.memory_space<vmem>>, %arg8: memref<80x128xf32, #tpu.memory_space<vmem>>, %arg9: memref<80x128xf32, #tpu.memory_space<vmem>>, %arg10: memref<80x128xf32, #tpu.memory_space<vmem>>, %arg11: memref<80x128xf32, #tpu.memory_space<vmem>>, %arg12: memref<!tpu.dma_semaphore, #tpu.memory_space<semaphore_mem>>, %arg13: memref<!tpu.dma_semaphore, #tpu.memory_space<semaphore_mem>>, %arg14: memref<!tpu.dma_semaphore, #tpu.memory_space<semaphore_mem>>, %arg15: memref<!tpu.dma_semaphore, #tpu.memory_space<semaphore_mem>>, %arg16: memref<!tpu.dma_semaphore, #tpu.memory_space<semaphore_mem>>, %arg17: memref<!tpu.dma_semaphore, #tpu.memory_space<semaphore_mem>>, %arg18: memref<!tpu.dma_semaphore, #tpu.memory_space<semaphore_mem>>, %arg19: memref<!tpu.dma_semaphore, #tpu.memory_space<semaphore_mem>>, %arg20: memref<!tpu.dma_semaphore, #tpu.memory_space<semaphore_mem>>, %arg21: memref<!tpu.dma_semaphore, #tpu.memory_space<semaphore_mem>>) attributes {dimension_semantics = [#tpu.dimension_semantics<core_parallel>, #tpu.dimension_semantics<subcore_parallel>], iteration_bounds = array<i64: 2, 16>, scalar_prefetch = 0 : i64, scratch_operands = 17 : i64, tpu.core_type = #tpu.core_type<sc_vector_subcore>, window_params = [{transform_indices = #map}, {transform_indices = #map1}, {transform_indices = #map1}]} {
    %mul3A = arith.constant 2 : i32
    %mul3A_0 = arith.muli %arg1, %mul3A : i32
    %add3A = arith.addi %mul3A_0, %arg0 : i32
    %mul3A_1 = arith.constant 10000 : i32
    %mul3A_2 = arith.muli %add3A, %mul3A_1 : i32
    %eq3A = arith.constant 0 : i32
    %eq3A_3 = arith.cmpi eq, %arg1, %eq3A : i32
    %convert_element_type3A = arith.extui %eq3A_3 : i1 to i32
    %cond3A = arith.constant 0 : i32
    %cond3A_4 = arith.cmpi ne, %convert_element_type3A, %cond3A : i32
    scf.if %cond3A_4 {
      "tpu.region"() ({
        %run_scoped3A = tpu.sem_alloc : memref<!tpu.dma_semaphore, #tpu.memory_space<semaphore_mem>>
        %dma_start3A_258 = arith.constant 0 : i32
        %dma_start3A_259 = arith.constant 0 : i32
        %dma_start3A_260 = tpu.memref_slice %arg7[%dma_start3A_258, %dma_start3A_259] : memref<80x128xf32, #tpu.memory_space<vmem>> -> memref<80x128xf32, #tpu.memory_space<vmem>>
        %dma_start3A_261 = arith.constant 0 : i32
        %dma_start3A_262 = arith.constant 0 : i32
        %dma_start3A_263 = tpu.memref_slice %arg3[%dma_start3A_261, %dma_start3A_262] : memref<100x128xf32, #tpu.memory_space<hbm>> -> memref<80x128xf32, #tpu.memory_space<hbm>>
        %dma_start3A_264 = arith.constant 0 : i32
        %dma_start3A_265 = arith.constant 0 : i32
        %dma_start3A_266 = tpu.memref_slice %arg7[%dma_start3A_264, %dma_start3A_265] : memref<80x128xf32, #tpu.memory_space<vmem>> -> memref<80x128xf32, #tpu.memory_space<vmem>>
        %dma_start3A_267 = arith.constant 0 : i32
        %dma_start3A_268 = arith.constant 0 : i32
        %dma_start3A_269 = tpu.memref_slice %arg3[%dma_start3A_267, %dma_start3A_268] : memref<100x128xf32, #tpu.memory_space<hbm>> -> memref<80x128xf32, #tpu.memory_space<hbm>>
        tpu.enqueue_dma source(%dma_start3A_269 : memref<80x128xf32, #tpu.memory_space<hbm>>) target(%dma_start3A_266 : memref<80x128xf32, #tpu.memory_space<vmem>>) target_semaphore(%run_scoped3A : memref<!tpu.dma_semaphore, #tpu.memory_space<semaphore_mem>>)
        %dma_wait3A_270 = arith.constant 0 : i32
        %dma_wait3A_271 = arith.constant 0 : i32
        %dma_wait3A_272 = tpu.memref_slice %arg7[%dma_wait3A_270, %dma_wait3A_271] : memref<80x128xf32, #tpu.memory_space<vmem>> -> memref<80x128xf32, #tpu.memory_space<vmem>>
        %dma_wait3A_273 = arith.constant 0 : i32
        %dma_wait3A_274 = arith.constant 0 : i32
        %dma_wait3A_275 = tpu.memref_slice %arg3[%dma_wait3A_273, %dma_wait3A_274] : memref<100x128xf32, #tpu.memory_space<hbm>> -> memref<80x128xf32, #tpu.memory_space<hbm>>
        %dma_wait3A_276 = arith.constant 0 : i32
        %dma_wait3A_277 = arith.constant 0 : i32
        %dma_wait3A_278 = tpu.memref_slice %arg7[%dma_wait3A_276, %dma_wait3A_277] : memref<80x128xf32, #tpu.memory_space<vmem>> -> memref<80x128xf32, #tpu.memory_space<vmem>>
        %dma_wait3A_279 = arith.constant 0 : i32
        %dma_wait3A_280 = arith.constant 0 : i32
        %dma_wait3A_281 = tpu.memref_slice %arg3[%dma_wait3A_279, %dma_wait3A_280] : memref<100x128xf32, #tpu.memory_space<hbm>> -> memref<80x128xf32, #tpu.memory_space<hbm>>
        tpu.wait_dma2 semaphore(%run_scoped3A : memref<!tpu.dma_semaphore, #tpu.memory_space<semaphore_mem>>) src(%dma_wait3A_281 : memref<80x128xf32, #tpu.memory_space<hbm>>) dst(%dma_wait3A_278 : memref<80x128xf32, #tpu.memory_space<vmem>>)
        tpu.yield
      }) : () -> ()
      "tpu.region"() ({
        %run_scoped3A = tpu.sem_alloc : memref<!tpu.dma_semaphore, #tpu.memory_space<semaphore_mem>>
        %dma_start3A_258 = arith.constant 0 : i32
        %dma_start3A_259 = arith.constant 0 : i32
        %dma_start3A_260 = tpu.memref_slice %arg8[%dma_start3A_258, %dma_start3A_259] : memref<80x128xf32, #tpu.memory_space<vmem>> -> memref<20x128xf32, #tpu.memory_space<vmem>>
        %dma_start3A_261 = arith.constant 80 : i32
        %dma_start3A_262 = arith.constant 0 : i32
        %dma_start3A_263 = tpu.memref_slice %arg3[%dma_start3A_261, %dma_start3A_262] : memref<100x128xf32, #tpu.memory_space<hbm>> -> memref<20x128xf32, #tpu.memory_space<hbm>>
        %dma_start3A_264 = arith.constant 0 : i32
        %dma_start3A_265 = arith.constant 0 : i32
        %dma_start3A_266 = tpu.memref_slice %arg8[%dma_start3A_264, %dma_start3A_265] : memref<80x128xf32, #tpu.memory_space<vmem>> -> memref<20x128xf32, #tpu.memory_space<vmem>>
        %dma_start3A_267 = arith.constant 80 : i32
        %dma_start3A_268 = arith.constant 0 : i32
        %dma_start3A_269 = tpu.memref_slice %arg3[%dma_start3A_267, %dma_start3A_268] : memref<100x128xf32, #tpu.memory_space<hbm>> -> memref<20x128xf32, #tpu.memory_space<hbm>>
        tpu.enqueue_dma source(%dma_start3A_269 : memref<20x128xf32, #tpu.memory_space<hbm>>) target(%dma_start3A_266 : memref<20x128xf32, #tpu.memory_space<vmem>>) target_semaphore(%run_scoped3A : memref<!tpu.dma_semaphore, #tpu.memory_space<semaphore_mem>>)
        %dma_wait3A_270 = arith.constant 0 : i32
        %dma_wait3A_271 = arith.constant 0 : i32
        %dma_wait3A_272 = tpu.memref_slice %arg8[%dma_wait3A_270, %dma_wait3A_271] : memref<80x128xf32, #tpu.memory_space<vmem>> -> memref<20x128xf32, #tpu.memory_space<vmem>>
        %dma_wait3A_273 = arith.constant 80 : i32
        %dma_wait3A_274 = arith.constant 0 : i32
        %dma_wait3A_275 = tpu.memref_slice %arg3[%dma_wait3A_273, %dma_wait3A_274] : memref<100x128xf32, #tpu.memory_space<hbm>> -> memref<20x128xf32, #tpu.memory_space<hbm>>
        %dma_wait3A_276 = arith.constant 0 : i32
        %dma_wait3A_277 = arith.constant 0 : i32
        %dma_wait3A_278 = tpu.memref_slice %arg8[%dma_wait3A_276, %dma_wait3A_277] : memref<80x128xf32, #tpu.memory_space<vmem>> -> memref<20x128xf32, #tpu.memory_space<vmem>>
        %dma_wait3A_279 = arith.constant 80 : i32
        %dma_wait3A_280 = arith.constant 0 : i32
        %dma_wait3A_281 = tpu.memref_slice %arg3[%dma_wait3A_279, %dma_wait3A_280] : memref<100x128xf32, #tpu.memory_space<hbm>> -> memref<20x128xf32, #tpu.memory_space<hbm>>
        tpu.wait_dma2 semaphore(%run_scoped3A : memref<!tpu.dma_semaphore, #tpu.memory_space<semaphore_mem>>) src(%dma_wait3A_281 : memref<20x128xf32, #tpu.memory_space<hbm>>) dst(%dma_wait3A_278 : memref<20x128xf32, #tpu.memory_space<vmem>>)
        tpu.yield
      }) : () -> ()
      "tpu.region"() ({
        %run_scoped3A = tpu.sem_alloc : memref<!tpu.dma_semaphore, #tpu.memory_space<semaphore_mem>>
        %dma_start3A_258 = arith.constant 0 : i32
        %dma_start3A_259 = arith.constant 0 : i32
        %dma_start3A_260 = tpu.memref_slice %arg7[%dma_start3A_258, %dma_start3A_259] : memref<80x128xf32, #tpu.memory_space<vmem>> -> memref<80x128xf32, #tpu.memory_space<vmem>>
        %dma_start3A_261 = arith.constant 0 : i32
        %dma_start3A_262 = arith.constant 0 : i32
        %dma_start3A_263 = tpu.memref_slice %arg6[%dma_start3A_261, %dma_start3A_262] : memref<100x128xf32, #tpu.memory_space<vmem_shared>> -> memref<80x128xf32, #tpu.memory_space<vmem_shared>>
        %dma_start3A_264 = arith.constant 0 : i32
        %dma_start3A_265 = arith.constant 0 : i32
        %dma_start3A_266 = tpu.memref_slice %arg6[%dma_start3A_264, %dma_start3A_265] : memref<100x128xf32, #tpu.memory_space<vmem_shared>> -> memref<80x128xf32, #tpu.memory_space<vmem_shared>>
        %dma_start3A_267 = arith.constant 0 : i32
        %dma_start3A_268 = arith.constant 0 : i32
        %dma_start3A_269 = tpu.memref_slice %arg7[%dma_start3A_267, %dma_start3A_268] : memref<80x128xf32, #tpu.memory_space<vmem>> -> memref<80x128xf32, #tpu.memory_space<vmem>>
        tpu.enqueue_dma source(%dma_start3A_269 : memref<80x128xf32, #tpu.memory_space<vmem>>) target(%dma_start3A_266 : memref<80x128xf32, #tpu.memory_space<vmem_shared>>) target_semaphore(%run_scoped3A : memref<!tpu.dma_semaphore, #tpu.memory_space<semaphore_mem>>)
        %dma_wait3A_270 = arith.constant 0 : i32
        %dma_wait3A_271 = arith.constant 0 : i32
        %dma_wait3A_272 = tpu.memref_slice %arg7[%dma_wait3A_270, %dma_wait3A_271] : memref<80x128xf32, #tpu.memory_space<vmem>> -> memref<80x128xf32, #tpu.memory_space<vmem>>
        %dma_wait3A_273 = arith.constant 0 : i32
        %dma_wait3A_274 = arith.constant 0 : i32
        %dma_wait3A_275 = tpu.memref_slice %arg6[%dma_wait3A_273, %dma_wait3A_274] : memref<100x128xf32, #tpu.memory_space<vmem_shared>> -> memref<80x128xf32, #tpu.memory_space<vmem_shared>>
        %dma_wait3A_276 = arith.constant 0 : i32
        %dma_wait3A_277 = arith.constant 0 : i32
        %dma_wait3A_278 = tpu.memref_slice %arg6[%dma_wait3A_276, %dma_wait3A_277] : memref<100x128xf32, #tpu.memory_space<vmem_shared>> -> memref<80x128xf32, #tpu.memory_space<vmem_shared>>
        %dma_wait3A_279 = arith.constant 0 : i32
        %dma_wait3A_280 = arith.constant 0 : i32
        %dma_wait3A_281 = tpu.memref_slice %arg7[%dma_wait3A_279, %dma_wait3A_280] : memref<80x128xf32, #tpu.memory_space<vmem>> -> memref<80x128xf32, #tpu.memory_space<vmem>>
        tpu.wait_dma2 semaphore(%run_scoped3A : memref<!tpu.dma_semaphore, #tpu.memory_space<semaphore_mem>>) src(%dma_wait3A_281 : memref<80x128xf32, #tpu.memory_space<vmem>>) dst(%dma_wait3A_278 : memref<80x128xf32, #tpu.memory_space<vmem_shared>>)
        tpu.yield
      }) : () -> ()
      "tpu.region"() ({
        %run_scoped3A = tpu.sem_alloc : memref<!tpu.dma_semaphore, #tpu.memory_space<semaphore_mem>>
        %dma_start3A_258 = arith.constant 0 : i32
        %dma_start3A_259 = arith.constant 0 : i32
        %dma_start3A_260 = tpu.memref_slice %arg8[%dma_start3A_258, %dma_start3A_259] : memref<80x128xf32, #tpu.memory_space<vmem>> -> memref<20x128xf32, #tpu.memory_space<vmem>>
        %dma_start3A_261 = arith.constant 80 : i32
        %dma_start3A_262 = arith.constant 0 : i32
        %dma_start3A_263 = tpu.memref_slice %arg6[%dma_start3A_261, %dma_start3A_262] : memref<100x128xf32, #tpu.memory_space<vmem_shared>> -> memref<20x128xf32, #tpu.memory_space<vmem_shared>>
        %dma_start3A_264 = arith.constant 80 : i32
        %dma_start3A_265 = arith.constant 0 : i32
        %dma_start3A_266 = tpu.memref_slice %arg6[%dma_start3A_264, %dma_start3A_265] : memref<100x128xf32, #tpu.memory_space<vmem_shared>> -> memref<20x128xf32, #tpu.memory_space<vmem_shared>>
        %dma_start3A_267 = arith.constant 0 : i32
        %dma_start3A_268 = arith.constant 0 : i32
        %dma_start3A_269 = tpu.memref_slice %arg8[%dma_start3A_267, %dma_start3A_268] : memref<80x128xf32, #tpu.memory_space<vmem>> -> memref<20x128xf32, #tpu.memory_space<vmem>>
        tpu.enqueue_dma source(%dma_start3A_269 : memref<20x128xf32, #tpu.memory_space<vmem>>) target(%dma_start3A_266 : memref<20x128xf32, #tpu.memory_space<vmem_shared>>) target_semaphore(%run_scoped3A : memref<!tpu.dma_semaphore, #tpu.memory_space<semaphore_mem>>)
        %dma_wait3A_270 = arith.constant 0 : i32
        %dma_wait3A_271 = arith.constant 0 : i32
        %dma_wait3A_272 = tpu.memref_slice %arg8[%dma_wait3A_270, %dma_wait3A_271] : memref<80x128xf32, #tpu.memory_space<vmem>> -> memref<20x128xf32, #tpu.memory_space<vmem>>
        %dma_wait3A_273 = arith.constant 80 : i32
        %dma_wait3A_274 = arith.constant 0 : i32
        %dma_wait3A_275 = tpu.memref_slice %arg6[%dma_wait3A_273, %dma_wait3A_274] : memref<100x128xf32, #tpu.memory_space<vmem_shared>> -> memref<20x128xf32, #tpu.memory_space<vmem_shared>>
        %dma_wait3A_276 = arith.constant 80 : i32
        %dma_wait3A_277 = arith.constant 0 : i32
        %dma_wait3A_278 = tpu.memref_slice %arg6[%dma_wait3A_276, %dma_wait3A_277] : memref<100x128xf32, #tpu.memory_space<vmem_shared>> -> memref<20x128xf32, #tpu.memory_space<vmem_shared>>
        %dma_wait3A_279 = arith.constant 0 : i32
        %dma_wait3A_280 = arith.constant 0 : i32
        %dma_wait3A_281 = tpu.memref_slice %arg8[%dma_wait3A_279, %dma_wait3A_280] : memref<80x128xf32, #tpu.memory_space<vmem>> -> memref<20x128xf32, #tpu.memory_space<vmem>>
        tpu.wait_dma2 semaphore(%run_scoped3A : memref<!tpu.dma_semaphore, #tpu.memory_space<semaphore_mem>>) src(%dma_wait3A_281 : memref<20x128xf32, #tpu.memory_space<vmem>>) dst(%dma_wait3A_278 : memref<20x128xf32, #tpu.memory_space<vmem_shared>>)
        tpu.yield
      }) : () -> ()
    } else {
    }
    "tpu.region"() ({
      %run_scoped3A = tpu.sem_alloc : memref<!tpu.dma_semaphore, #tpu.memory_space<semaphore_mem>>
      %dma_start3A_258 = arith.constant 0 : i32
      %dma_start3A_259 = arith.constant 0 : i32
      %dma_start3A_260 = tpu.memref_slice %arg2[%add3A, %dma_start3A_258, %dma_start3A_259] : memref<32x125x80xi32, #tpu.memory_space<hbm>> -> memref<1x125x80xi32, #tpu.memory_space<hbm>>
      %dma_start3A_261 = tpu.memref_squeeze %dma_start3A_260 : memref<1x125x80xi32, #tpu.memory_space<hbm>> -> memref<125x80xi32, #tpu.memory_space<hbm>>
      %dma_start3A_262 = arith.constant 0 : i32
      %dma_start3A_263 = arith.constant 0 : i32
      %dma_start3A_264 = tpu.memref_slice %arg2[%add3A, %dma_start3A_262, %dma_start3A_263] : memref<32x125x80xi32, #tpu.memory_space<hbm>> -> memref<1x125x80xi32, #tpu.memory_space<hbm>>
      %dma_start3A_265 = tpu.memref_squeeze %dma_start3A_264 : memref<1x125x80xi32, #tpu.memory_space<hbm>> -> memref<125x80xi32, #tpu.memory_space<hbm>>
      tpu.enqueue_dma source(%dma_start3A_265 : memref<125x80xi32, #tpu.memory_space<hbm>>) target(%arg5 : memref<125x80xi32, #tpu.memory_space<vmem>>) target_semaphore(%run_scoped3A : memref<!tpu.dma_semaphore, #tpu.memory_space<semaphore_mem>>)
      %dma_wait3A_266 = arith.constant 0 : i32
      %dma_wait3A_267 = arith.constant 0 : i32
      %dma_wait3A_268 = tpu.memref_slice %arg2[%add3A, %dma_wait3A_266, %dma_wait3A_267] : memref<32x125x80xi32, #tpu.memory_space<hbm>> -> memref<1x125x80xi32, #tpu.memory_space<hbm>>
      %dma_wait3A_269 = tpu.memref_squeeze %dma_wait3A_268 : memref<1x125x80xi32, #tpu.memory_space<hbm>> -> memref<125x80xi32, #tpu.memory_space<hbm>>
      %dma_wait3A_270 = arith.constant 0 : i32
      %dma_wait3A_271 = arith.constant 0 : i32
      %dma_wait3A_272 = tpu.memref_slice %arg2[%add3A, %dma_wait3A_270, %dma_wait3A_271] : memref<32x125x80xi32, #tpu.memory_space<hbm>> -> memref<1x125x80xi32, #tpu.memory_space<hbm>>
      %dma_wait3A_273 = tpu.memref_squeeze %dma_wait3A_272 : memref<1x125x80xi32, #tpu.memory_space<hbm>> -> memref<125x80xi32, #tpu.memory_space<hbm>>
      tpu.wait_dma2 semaphore(%run_scoped3A : memref<!tpu.dma_semaphore, #tpu.memory_space<semaphore_mem>>) src(%dma_wait3A_273 : memref<125x80xi32, #tpu.memory_space<hbm>>) dst(%arg5 : memref<125x80xi32, #tpu.memory_space<vmem>>)
      tpu.yield
    }) : () -> ()
    %barrier3A = arith.constant 0 : index
    tpu.barrier barrier_id(%barrier3A)
    %dma_start3A = arith.constant 0 : i32
    %dma_start3A_5 = arith.constant 0 : i32
    %dma_start3A_6 = tpu.memref_slice %arg5[%dma_start3A, %dma_start3A_5] : memref<125x80xi32, #tpu.memory_space<vmem>> -> memref<1x80xi32, #tpu.memory_space<vmem>>
    %dma_start3A_7 = tpu.memref_squeeze %dma_start3A_6 : memref<1x80xi32, #tpu.memory_space<vmem>> -> memref<80xi32, #tpu.memory_space<vmem>>
    %dma_start3A_8 = arith.constant 0 : i32
    %dma_start3A_9 = arith.constant 0 : i32
    %dma_start3A_10 = tpu.memref_slice %arg6[%dma_start3A_8, %dma_start3A_9] : memref<100x128xf32, #tpu.memory_space<vmem_shared>> -> memref<100x128xf32, #tpu.memory_space<vmem_shared>>
    tpu.enqueue_indirect_dma source(%dma_start3A_10 : memref<100x128xf32, #tpu.memory_space<vmem_shared>>) target(%arg7 : memref<80x128xf32, #tpu.memory_space<vmem>>) offsets(%dma_start3A_7 : memref<80xi32, #tpu.memory_space<vmem>>) semaphore(%arg12 : memref<!tpu.dma_semaphore, #tpu.memory_space<semaphore_mem>>)
    %dma_start3A_11 = arith.constant 1 : i32
    %dma_start3A_12 = arith.constant 0 : i32
    %dma_start3A_13 = tpu.memref_slice %arg5[%dma_start3A_11, %dma_start3A_12] : memref<125x80xi32, #tpu.memory_space<vmem>> -> memref<1x80xi32, #tpu.memory_space<vmem>>
    %dma_start3A_14 = tpu.memref_squeeze %dma_start3A_13 : memref<1x80xi32, #tpu.memory_space<vmem>> -> memref<80xi32, #tpu.memory_space<vmem>>
    %dma_start3A_15 = arith.constant 0 : i32
    %dma_start3A_16 = arith.constant 0 : i32
    %dma_start3A_17 = tpu.memref_slice %arg6[%dma_start3A_15, %dma_start3A_16] : memref<100x128xf32, #tpu.memory_space<vmem_shared>> -> memref<100x128xf32, #tpu.memory_space<vmem_shared>>
    tpu.enqueue_indirect_dma source(%dma_start3A_17 : memref<100x128xf32, #tpu.memory_space<vmem_shared>>) target(%arg8 : memref<80x128xf32, #tpu.memory_space<vmem>>) offsets(%dma_start3A_14 : memref<80xi32, #tpu.memory_space<vmem>>) semaphore(%arg13 : memref<!tpu.dma_semaphore, #tpu.memory_space<semaphore_mem>>)
    %dma_start3A_18 = arith.constant 2 : i32
    %dma_start3A_19 = arith.constant 0 : i32
    %dma_start3A_20 = tpu.memref_slice %arg5[%dma_start3A_18, %dma_start3A_19] : memref<125x80xi32, #tpu.memory_space<vmem>> -> memref<1x80xi32, #tpu.memory_space<vmem>>
    %dma_start3A_21 = tpu.memref_squeeze %dma_start3A_20 : memref<1x80xi32, #tpu.memory_space<vmem>> -> memref<80xi32, #tpu.memory_space<vmem>>
    %dma_start3A_22 = arith.constant 0 : i32
    %dma_start3A_23 = arith.constant 0 : i32
    %dma_start3A_24 = tpu.memref_slice %arg6[%dma_start3A_22, %dma_start3A_23] : memref<100x128xf32, #tpu.memory_space<vmem_shared>> -> memref<100x128xf32, #tpu.memory_space<vmem_shared>>
    tpu.enqueue_indirect_dma source(%dma_start3A_24 : memref<100x128xf32, #tpu.memory_space<vmem_shared>>) target(%arg9 : memref<80x128xf32, #tpu.memory_space<vmem>>) offsets(%dma_start3A_21 : memref<80xi32, #tpu.memory_space<vmem>>) semaphore(%arg14 : memref<!tpu.dma_semaphore, #tpu.memory_space<semaphore_mem>>)
    %dma_start3A_25 = arith.constant 3 : i32
    %dma_start3A_26 = arith.constant 0 : i32
    %dma_start3A_27 = tpu.memref_slice %arg5[%dma_start3A_25, %dma_start3A_26] : memref<125x80xi32, #tpu.memory_space<vmem>> -> memref<1x80xi32, #tpu.memory_space<vmem>>
    %dma_start3A_28 = tpu.memref_squeeze %dma_start3A_27 : memref<1x80xi32, #tpu.memory_space<vmem>> -> memref<80xi32, #tpu.memory_space<vmem>>
    %dma_start3A_29 = arith.constant 0 : i32
    %dma_start3A_30 = arith.constant 0 : i32
    %dma_start3A_31 = tpu.memref_slice %arg6[%dma_start3A_29, %dma_start3A_30] : memref<100x128xf32, #tpu.memory_space<vmem_shared>> -> memref<100x128xf32, #tpu.memory_space<vmem_shared>>
    tpu.enqueue_indirect_dma source(%dma_start3A_31 : memref<100x128xf32, #tpu.memory_space<vmem_shared>>) target(%arg10 : memref<80x128xf32, #tpu.memory_space<vmem>>) offsets(%dma_start3A_28 : memref<80xi32, #tpu.memory_space<vmem>>) semaphore(%arg15 : memref<!tpu.dma_semaphore, #tpu.memory_space<semaphore_mem>>)
    %dma_wait3A = arith.constant 0 : i32
    %dma_wait3A_32 = arith.constant 0 : i32
    %dma_wait3A_33 = tpu.memref_slice %arg4[%dma_wait3A, %dma_wait3A_32] : memref<320000x128xf32, #tpu.memory_space<hbm>> -> memref<80x128xf32, #tpu.memory_space<hbm>>
    %dma_wait3A_34 = arith.constant 0 : i32
    %dma_wait3A_35 = arith.constant 0 : i32
    %dma_wait3A_36 = tpu.memref_slice %arg4[%dma_wait3A_34, %dma_wait3A_35] : memref<320000x128xf32, #tpu.memory_space<hbm>> -> memref<80x128xf32, #tpu.memory_space<hbm>>
    tpu.wait_dma2 semaphore(%arg12 : memref<!tpu.dma_semaphore, #tpu.memory_space<semaphore_mem>>) src(%dma_wait3A_36 : memref<80x128xf32, #tpu.memory_space<hbm>>) dst(%arg7 : memref<80x128xf32, #tpu.memory_space<vmem>>)
    %add3A_37 = arith.constant 0 : i32
    %add3A_38 = arith.addi %mul3A_2, %add3A_37 : i32
    %dma_start3A_39 = arith.constant 0 : i32
    %dma_start3A_40 = tpu.memref_slice %arg4[%add3A_38, %dma_start3A_39] : memref<320000x128xf32, #tpu.memory_space<hbm>> -> memref<80x128xf32, #tpu.memory_space<hbm>>
    %dma_start3A_41 = arith.constant 0 : i32
    %dma_start3A_42 = tpu.memref_slice %arg4[%add3A_38, %dma_start3A_41] : memref<320000x128xf32, #tpu.memory_space<hbm>> -> memref<80x128xf32, #tpu.memory_space<hbm>>
    tpu.enqueue_dma source(%arg7 : memref<80x128xf32, #tpu.memory_space<vmem>>) target(%dma_start3A_42 : memref<80x128xf32, #tpu.memory_space<hbm>>) target_semaphore(%arg17 : memref<!tpu.dma_semaphore, #tpu.memory_space<semaphore_mem>>)
    %dma_start3A_43 = arith.constant 4 : i32
    %dma_start3A_44 = arith.constant 0 : i32
    %dma_start3A_45 = tpu.memref_slice %arg5[%dma_start3A_43, %dma_start3A_44] : memref<125x80xi32, #tpu.memory_space<vmem>> -> memref<1x80xi32, #tpu.memory_space<vmem>>
    %dma_start3A_46 = tpu.memref_squeeze %dma_start3A_45 : memref<1x80xi32, #tpu.memory_space<vmem>> -> memref<80xi32, #tpu.memory_space<vmem>>
    %dma_start3A_47 = arith.constant 0 : i32
    %dma_start3A_48 = arith.constant 0 : i32
    %dma_start3A_49 = tpu.memref_slice %arg6[%dma_start3A_47, %dma_start3A_48] : memref<100x128xf32, #tpu.memory_space<vmem_shared>> -> memref<100x128xf32, #tpu.memory_space<vmem_shared>>
    tpu.enqueue_indirect_dma source(%dma_start3A_49 : memref<100x128xf32, #tpu.memory_space<vmem_shared>>) target(%arg11 : memref<80x128xf32, #tpu.memory_space<vmem>>) offsets(%dma_start3A_46 : memref<80xi32, #tpu.memory_space<vmem>>) semaphore(%arg16 : memref<!tpu.dma_semaphore, #tpu.memory_space<semaphore_mem>>)
    %dma_wait3A_50 = arith.constant 0 : i32
    %dma_wait3A_51 = arith.constant 0 : i32
    %dma_wait3A_52 = tpu.memref_slice %arg4[%dma_wait3A_50, %dma_wait3A_51] : memref<320000x128xf32, #tpu.memory_space<hbm>> -> memref<80x128xf32, #tpu.memory_space<hbm>>
    %dma_wait3A_53 = arith.constant 0 : i32
    %dma_wait3A_54 = arith.constant 0 : i32
    %dma_wait3A_55 = tpu.memref_slice %arg4[%dma_wait3A_53, %dma_wait3A_54] : memref<320000x128xf32, #tpu.memory_space<hbm>> -> memref<80x128xf32, #tpu.memory_space<hbm>>
    tpu.wait_dma2 semaphore(%arg13 : memref<!tpu.dma_semaphore, #tpu.memory_space<semaphore_mem>>) src(%dma_wait3A_55 : memref<80x128xf32, #tpu.memory_space<hbm>>) dst(%arg8 : memref<80x128xf32, #tpu.memory_space<vmem>>)
    %add3A_56 = arith.constant 80 : i32
    %add3A_57 = arith.addi %mul3A_2, %add3A_56 : i32
    %dma_start3A_58 = arith.constant 0 : i32
    %dma_start3A_59 = tpu.memref_slice %arg4[%add3A_57, %dma_start3A_58] : memref<320000x128xf32, #tpu.memory_space<hbm>> -> memref<80x128xf32, #tpu.memory_space<hbm>>
    %dma_start3A_60 = arith.constant 0 : i32
    %dma_start3A_61 = tpu.memref_slice %arg4[%add3A_57, %dma_start3A_60] : memref<320000x128xf32, #tpu.memory_space<hbm>> -> memref<80x128xf32, #tpu.memory_space<hbm>>
    tpu.enqueue_dma source(%arg8 : memref<80x128xf32, #tpu.memory_space<vmem>>) target(%dma_start3A_61 : memref<80x128xf32, #tpu.memory_space<hbm>>) target_semaphore(%arg18 : memref<!tpu.dma_semaphore, #tpu.memory_space<semaphore_mem>>)
    %dma_wait3A_62 = arith.constant 0 : i32
    %dma_wait3A_63 = arith.constant 0 : i32
    %dma_wait3A_64 = tpu.memref_slice %arg4[%dma_wait3A_62, %dma_wait3A_63] : memref<320000x128xf32, #tpu.memory_space<hbm>> -> memref<80x128xf32, #tpu.memory_space<hbm>>
    %dma_wait3A_65 = arith.constant 0 : i32
    %dma_wait3A_66 = arith.constant 0 : i32
    %dma_wait3A_67 = tpu.memref_slice %arg4[%dma_wait3A_65, %dma_wait3A_66] : memref<320000x128xf32, #tpu.memory_space<hbm>> -> memref<80x128xf32, #tpu.memory_space<hbm>>
    tpu.wait_dma2 semaphore(%arg17 : memref<!tpu.dma_semaphore, #tpu.memory_space<semaphore_mem>>) src(%arg7 : memref<80x128xf32, #tpu.memory_space<vmem>>) dst(%dma_wait3A_67 : memref<80x128xf32, #tpu.memory_space<hbm>>)
    %dma_start3A_68 = arith.constant 5 : i32
    %dma_start3A_69 = arith.constant 0 : i32
    %dma_start3A_70 = tpu.memref_slice %arg5[%dma_start3A_68, %dma_start3A_69] : memref<125x80xi32, #tpu.memory_space<vmem>> -> memref<1x80xi32, #tpu.memory_space<vmem>>
    %dma_start3A_71 = tpu.memref_squeeze %dma_start3A_70 : memref<1x80xi32, #tpu.memory_space<vmem>> -> memref<80xi32, #tpu.memory_space<vmem>>
    %dma_start3A_72 = arith.constant 0 : i32
    %dma_start3A_73 = arith.constant 0 : i32
    %dma_start3A_74 = tpu.memref_slice %arg6[%dma_start3A_72, %dma_start3A_73] : memref<100x128xf32, #tpu.memory_space<vmem_shared>> -> memref<100x128xf32, #tpu.memory_space<vmem_shared>>
    tpu.enqueue_indirect_dma source(%dma_start3A_74 : memref<100x128xf32, #tpu.memory_space<vmem_shared>>) target(%arg7 : memref<80x128xf32, #tpu.memory_space<vmem>>) offsets(%dma_start3A_71 : memref<80xi32, #tpu.memory_space<vmem>>) semaphore(%arg12 : memref<!tpu.dma_semaphore, #tpu.memory_space<semaphore_mem>>)
    %dma_wait3A_75 = arith.constant 0 : i32
    %dma_wait3A_76 = arith.constant 0 : i32
    %dma_wait3A_77 = tpu.memref_slice %arg4[%dma_wait3A_75, %dma_wait3A_76] : memref<320000x128xf32, #tpu.memory_space<hbm>> -> memref<80x128xf32, #tpu.memory_space<hbm>>
    %dma_wait3A_78 = arith.constant 0 : i32
    %dma_wait3A_79 = arith.constant 0 : i32
    %dma_wait3A_80 = tpu.memref_slice %arg4[%dma_wait3A_78, %dma_wait3A_79] : memref<320000x128xf32, #tpu.memory_space<hbm>> -> memref<80x128xf32, #tpu.memory_space<hbm>>
    tpu.wait_dma2 semaphore(%arg14 : memref<!tpu.dma_semaphore, #tpu.memory_space<semaphore_mem>>) src(%dma_wait3A_80 : memref<80x128xf32, #tpu.memory_space<hbm>>) dst(%arg9 : memref<80x128xf32, #tpu.memory_space<vmem>>)
    %add3A_81 = arith.constant 160 : i32
    %add3A_82 = arith.addi %mul3A_2, %add3A_81 : i32
    %dma_start3A_83 = arith.constant 0 : i32
    %dma_start3A_84 = tpu.memref_slice %arg4[%add3A_82, %dma_start3A_83] : memref<320000x128xf32, #tpu.memory_space<hbm>> -> memref<80x128xf32, #tpu.memory_space<hbm>>
    %dma_start3A_85 = arith.constant 0 : i32
    %dma_start3A_86 = tpu.memref_slice %arg4[%add3A_82, %dma_start3A_85] : memref<320000x128xf32, #tpu.memory_space<hbm>> -> memref<80x128xf32, #tpu.memory_space<hbm>>
    tpu.enqueue_dma source(%arg9 : memref<80x128xf32, #tpu.memory_space<vmem>>) target(%dma_start3A_86 : memref<80x128xf32, #tpu.memory_space<hbm>>) target_semaphore(%arg19 : memref<!tpu.dma_semaphore, #tpu.memory_space<semaphore_mem>>)
    %dma_wait3A_87 = arith.constant 0 : i32
    %dma_wait3A_88 = arith.constant 0 : i32
    %dma_wait3A_89 = tpu.memref_slice %arg4[%dma_wait3A_87, %dma_wait3A_88] : memref<320000x128xf32, #tpu.memory_space<hbm>> -> memref<80x128xf32, #tpu.memory_space<hbm>>
    %dma_wait3A_90 = arith.constant 0 : i32
    %dma_wait3A_91 = arith.constant 0 : i32
    %dma_wait3A_92 = tpu.memref_slice %arg4[%dma_wait3A_90, %dma_wait3A_91] : memref<320000x128xf32, #tpu.memory_space<hbm>> -> memref<80x128xf32, #tpu.memory_space<hbm>>
    tpu.wait_dma2 semaphore(%arg18 : memref<!tpu.dma_semaphore, #tpu.memory_space<semaphore_mem>>) src(%arg8 : memref<80x128xf32, #tpu.memory_space<vmem>>) dst(%dma_wait3A_92 : memref<80x128xf32, #tpu.memory_space<hbm>>)
    %dma_start3A_93 = arith.constant 6 : i32
    %dma_start3A_94 = arith.constant 0 : i32
    %dma_start3A_95 = tpu.memref_slice %arg5[%dma_start3A_93, %dma_start3A_94] : memref<125x80xi32, #tpu.memory_space<vmem>> -> memref<1x80xi32, #tpu.memory_space<vmem>>
    %dma_start3A_96 = tpu.memref_squeeze %dma_start3A_95 : memref<1x80xi32, #tpu.memory_space<vmem>> -> memref<80xi32, #tpu.memory_space<vmem>>
    %dma_start3A_97 = arith.constant 0 : i32
    %dma_start3A_98 = arith.constant 0 : i32
    %dma_start3A_99 = tpu.memref_slice %arg6[%dma_start3A_97, %dma_start3A_98] : memref<100x128xf32, #tpu.memory_space<vmem_shared>> -> memref<100x128xf32, #tpu.memory_space<vmem_shared>>
    tpu.enqueue_indirect_dma source(%dma_start3A_99 : memref<100x128xf32, #tpu.memory_space<vmem_shared>>) target(%arg8 : memref<80x128xf32, #tpu.memory_space<vmem>>) offsets(%dma_start3A_96 : memref<80xi32, #tpu.memory_space<vmem>>) semaphore(%arg13 : memref<!tpu.dma_semaphore, #tpu.memory_space<semaphore_mem>>)
    %dma_wait3A_100 = arith.constant 0 : i32
    %dma_wait3A_101 = arith.constant 0 : i32
    %dma_wait3A_102 = tpu.memref_slice %arg4[%dma_wait3A_100, %dma_wait3A_101] : memref<320000x128xf32, #tpu.memory_space<hbm>> -> memref<80x128xf32, #tpu.memory_space<hbm>>
    %dma_wait3A_103 = arith.constant 0 : i32
    %dma_wait3A_104 = arith.constant 0 : i32
    %dma_wait3A_105 = tpu.memref_slice %arg4[%dma_wait3A_103, %dma_wait3A_104] : memref<320000x128xf32, #tpu.memory_space<hbm>> -> memref<80x128xf32, #tpu.memory_space<hbm>>
    tpu.wait_dma2 semaphore(%arg15 : memref<!tpu.dma_semaphore, #tpu.memory_space<semaphore_mem>>) src(%dma_wait3A_105 : memref<80x128xf32, #tpu.memory_space<hbm>>) dst(%arg10 : memref<80x128xf32, #tpu.memory_space<vmem>>)
    %add3A_106 = arith.constant 240 : i32
    %add3A_107 = arith.addi %mul3A_2, %add3A_106 : i32
    %dma_start3A_108 = arith.constant 0 : i32
    %dma_start3A_109 = tpu.memref_slice %arg4[%add3A_107, %dma_start3A_108] : memref<320000x128xf32, #tpu.memory_space<hbm>> -> memref<80x128xf32, #tpu.memory_space<hbm>>
    %dma_start3A_110 = arith.constant 0 : i32
    %dma_start3A_111 = tpu.memref_slice %arg4[%add3A_107, %dma_start3A_110] : memref<320000x128xf32, #tpu.memory_space<hbm>> -> memref<80x128xf32, #tpu.memory_space<hbm>>
    tpu.enqueue_dma source(%arg10 : memref<80x128xf32, #tpu.memory_space<vmem>>) target(%dma_start3A_111 : memref<80x128xf32, #tpu.memory_space<hbm>>) target_semaphore(%arg20 : memref<!tpu.dma_semaphore, #tpu.memory_space<semaphore_mem>>)
    %dma_wait3A_112 = arith.constant 0 : i32
    %dma_wait3A_113 = arith.constant 0 : i32
    %dma_wait3A_114 = tpu.memref_slice %arg4[%dma_wait3A_112, %dma_wait3A_113] : memref<320000x128xf32, #tpu.memory_space<hbm>> -> memref<80x128xf32, #tpu.memory_space<hbm>>
    %dma_wait3A_115 = arith.constant 0 : i32
    %dma_wait3A_116 = arith.constant 0 : i32
    %dma_wait3A_117 = tpu.memref_slice %arg4[%dma_wait3A_115, %dma_wait3A_116] : memref<320000x128xf32, #tpu.memory_space<hbm>> -> memref<80x128xf32, #tpu.memory_space<hbm>>
    tpu.wait_dma2 semaphore(%arg19 : memref<!tpu.dma_semaphore, #tpu.memory_space<semaphore_mem>>) src(%arg9 : memref<80x128xf32, #tpu.memory_space<vmem>>) dst(%dma_wait3A_117 : memref<80x128xf32, #tpu.memory_space<hbm>>)
    %dma_start3A_118 = arith.constant 7 : i32
    %dma_start3A_119 = arith.constant 0 : i32
    %dma_start3A_120 = tpu.memref_slice %arg5[%dma_start3A_118, %dma_start3A_119] : memref<125x80xi32, #tpu.memory_space<vmem>> -> memref<1x80xi32, #tpu.memory_space<vmem>>
    %dma_start3A_121 = tpu.memref_squeeze %dma_start3A_120 : memref<1x80xi32, #tpu.memory_space<vmem>> -> memref<80xi32, #tpu.memory_space<vmem>>
    %dma_start3A_122 = arith.constant 0 : i32
    %dma_start3A_123 = arith.constant 0 : i32
    %dma_start3A_124 = tpu.memref_slice %arg6[%dma_start3A_122, %dma_start3A_123] : memref<100x128xf32, #tpu.memory_space<vmem_shared>> -> memref<100x128xf32, #tpu.memory_space<vmem_shared>>
    tpu.enqueue_indirect_dma source(%dma_start3A_124 : memref<100x128xf32, #tpu.memory_space<vmem_shared>>) target(%arg9 : memref<80x128xf32, #tpu.memory_space<vmem>>) offsets(%dma_start3A_121 : memref<80xi32, #tpu.memory_space<vmem>>) semaphore(%arg14 : memref<!tpu.dma_semaphore, #tpu.memory_space<semaphore_mem>>)
    %dma_wait3A_125 = arith.constant 0 : i32
    %dma_wait3A_126 = arith.constant 0 : i32
    %dma_wait3A_127 = tpu.memref_slice %arg4[%dma_wait3A_125, %dma_wait3A_126] : memref<320000x128xf32, #tpu.memory_space<hbm>> -> memref<80x128xf32, #tpu.memory_space<hbm>>
    %dma_wait3A_128 = arith.constant 0 : i32
    %dma_wait3A_129 = arith.constant 0 : i32
    %dma_wait3A_130 = tpu.memref_slice %arg4[%dma_wait3A_128, %dma_wait3A_129] : memref<320000x128xf32, #tpu.memory_space<hbm>> -> memref<80x128xf32, #tpu.memory_space<hbm>>
    tpu.wait_dma2 semaphore(%arg16 : memref<!tpu.dma_semaphore, #tpu.memory_space<semaphore_mem>>) src(%dma_wait3A_130 : memref<80x128xf32, #tpu.memory_space<hbm>>) dst(%arg11 : memref<80x128xf32, #tpu.memory_space<vmem>>)
    %add3A_131 = arith.constant 320 : i32
    %add3A_132 = arith.addi %mul3A_2, %add3A_131 : i32
    %dma_start3A_133 = arith.constant 0 : i32
    %dma_start3A_134 = tpu.memref_slice %arg4[%add3A_132, %dma_start3A_133] : memref<320000x128xf32, #tpu.memory_space<hbm>> -> memref<80x128xf32, #tpu.memory_space<hbm>>
    %dma_start3A_135 = arith.constant 0 : i32
    %dma_start3A_136 = tpu.memref_slice %arg4[%add3A_132, %dma_start3A_135] : memref<320000x128xf32, #tpu.memory_space<hbm>> -> memref<80x128xf32, #tpu.memory_space<hbm>>
    tpu.enqueue_dma source(%arg11 : memref<80x128xf32, #tpu.memory_space<vmem>>) target(%dma_start3A_136 : memref<80x128xf32, #tpu.memory_space<hbm>>) target_semaphore(%arg21 : memref<!tpu.dma_semaphore, #tpu.memory_space<semaphore_mem>>)
    %scan3A = arith.constant 0 : i32
    %scan3A_137 = arith.constant 1 : i32
    %scan3A_138 = arith.constant 23 : i32
    %scan3A_139 = arith.addi %scan3A_137, %scan3A_138 : i32
    %scan3A_140 = arith.constant 1 : i32
    scf.for %scan3A_258 = %scan3A_137 to %scan3A_139 step %scan3A_140  : i32 {
      %mul3A_259 = arith.constant 5 : i32
      %mul3A_260 = arith.muli %scan3A_258, %mul3A_259 : i32
      %add3A_261 = arith.constant 0 : i32
      %add3A_262 = arith.addi %mul3A_260, %add3A_261 : i32
      %dma_wait3A_263 = arith.constant 0 : i32
      %dma_wait3A_264 = arith.constant 0 : i32
      %dma_wait3A_265 = tpu.memref_slice %arg4[%dma_wait3A_263, %dma_wait3A_264] : memref<320000x128xf32, #tpu.memory_space<hbm>> -> memref<80x128xf32, #tpu.memory_space<hbm>>
      %dma_wait3A_266 = arith.constant 0 : i32
      %dma_wait3A_267 = arith.constant 0 : i32
      %dma_wait3A_268 = tpu.memref_slice %arg4[%dma_wait3A_266, %dma_wait3A_267] : memref<320000x128xf32, #tpu.memory_space<hbm>> -> memref<80x128xf32, #tpu.memory_space<hbm>>
      tpu.wait_dma2 semaphore(%arg12 : memref<!tpu.dma_semaphore, #tpu.memory_space<semaphore_mem>>) src(%dma_wait3A_268 : memref<80x128xf32, #tpu.memory_space<hbm>>) dst(%arg7 : memref<80x128xf32, #tpu.memory_space<vmem>>)
      %mul3A_269 = arith.constant 80 : i32
      %mul3A_270 = arith.muli %add3A_262, %mul3A_269 : i32
      %add3A_271 = arith.addi %mul3A_2, %mul3A_270 : i32
      %dma_start3A_272 = arith.constant 0 : i32
      %dma_start3A_273 = tpu.memref_slice %arg4[%add3A_271, %dma_start3A_272] : memref<320000x128xf32, #tpu.memory_space<hbm>> -> memref<80x128xf32, #tpu.memory_space<hbm>>
      %dma_start3A_274 = arith.constant 0 : i32
      %dma_start3A_275 = tpu.memref_slice %arg4[%add3A_271, %dma_start3A_274] : memref<320000x128xf32, #tpu.memory_space<hbm>> -> memref<80x128xf32, #tpu.memory_space<hbm>>
      tpu.enqueue_dma source(%arg7 : memref<80x128xf32, #tpu.memory_space<vmem>>) target(%dma_start3A_275 : memref<80x128xf32, #tpu.memory_space<hbm>>) target_semaphore(%arg17 : memref<!tpu.dma_semaphore, #tpu.memory_space<semaphore_mem>>)
      %dma_wait3A_276 = arith.constant 0 : i32
      %dma_wait3A_277 = arith.constant 0 : i32
      %dma_wait3A_278 = tpu.memref_slice %arg4[%dma_wait3A_276, %dma_wait3A_277] : memref<320000x128xf32, #tpu.memory_space<hbm>> -> memref<80x128xf32, #tpu.memory_space<hbm>>
      %dma_wait3A_279 = arith.constant 0 : i32
      %dma_wait3A_280 = arith.constant 0 : i32
      %dma_wait3A_281 = tpu.memref_slice %arg4[%dma_wait3A_279, %dma_wait3A_280] : memref<320000x128xf32, #tpu.memory_space<hbm>> -> memref<80x128xf32, #tpu.memory_space<hbm>>
      tpu.wait_dma2 semaphore(%arg20 : memref<!tpu.dma_semaphore, #tpu.memory_space<semaphore_mem>>) src(%arg10 : memref<80x128xf32, #tpu.memory_space<vmem>>) dst(%dma_wait3A_281 : memref<80x128xf32, #tpu.memory_space<hbm>>)
      %add3A_282 = arith.constant 3 : i32
      %add3A_283 = arith.addi %add3A_262, %add3A_282 : i32
      %dma_start3A_284 = arith.constant 0 : i32
      %dma_start3A_285 = tpu.memref_slice %arg5[%add3A_283, %dma_start3A_284] : memref<125x80xi32, #tpu.memory_space<vmem>> -> memref<1x80xi32, #tpu.memory_space<vmem>>
      %dma_start3A_286 = tpu.memref_squeeze %dma_start3A_285 : memref<1x80xi32, #tpu.memory_space<vmem>> -> memref<80xi32, #tpu.memory_space<vmem>>
      %dma_start3A_287 = arith.constant 0 : i32
      %dma_start3A_288 = arith.constant 0 : i32
      %dma_start3A_289 = tpu.memref_slice %arg6[%dma_start3A_287, %dma_start3A_288] : memref<100x128xf32, #tpu.memory_space<vmem_shared>> -> memref<100x128xf32, #tpu.memory_space<vmem_shared>>
      tpu.enqueue_indirect_dma source(%dma_start3A_289 : memref<100x128xf32, #tpu.memory_space<vmem_shared>>) target(%arg10 : memref<80x128xf32, #tpu.memory_space<vmem>>) offsets(%dma_start3A_286 : memref<80xi32, #tpu.memory_space<vmem>>) semaphore(%arg15 : memref<!tpu.dma_semaphore, #tpu.memory_space<semaphore_mem>>)
      %mul3A_290 = arith.constant 5 : i32
      %mul3A_291 = arith.muli %scan3A_258, %mul3A_290 : i32
      %add3A_292 = arith.constant 1 : i32
      %add3A_293 = arith.addi %mul3A_291, %add3A_292 : i32
      %dma_wait3A_294 = arith.constant 0 : i32
      %dma_wait3A_295 = arith.constant 0 : i32
      %dma_wait3A_296 = tpu.memref_slice %arg4[%dma_wait3A_294, %dma_wait3A_295] : memref<320000x128xf32, #tpu.memory_space<hbm>> -> memref<80x128xf32, #tpu.memory_space<hbm>>
      %dma_wait3A_297 = arith.constant 0 : i32
      %dma_wait3A_298 = arith.constant 0 : i32
      %dma_wait3A_299 = tpu.memref_slice %arg4[%dma_wait3A_297, %dma_wait3A_298] : memref<320000x128xf32, #tpu.memory_space<hbm>> -> memref<80x128xf32, #tpu.memory_space<hbm>>
      tpu.wait_dma2 semaphore(%arg13 : memref<!tpu.dma_semaphore, #tpu.memory_space<semaphore_mem>>) src(%dma_wait3A_299 : memref<80x128xf32, #tpu.memory_space<hbm>>) dst(%arg8 : memref<80x128xf32, #tpu.memory_space<vmem>>)
      %mul3A_300 = arith.constant 80 : i32
      %mul3A_301 = arith.muli %add3A_293, %mul3A_300 : i32
      %add3A_302 = arith.addi %mul3A_2, %mul3A_301 : i32
      %dma_start3A_303 = arith.constant 0 : i32
      %dma_start3A_304 = tpu.memref_slice %arg4[%add3A_302, %dma_start3A_303] : memref<320000x128xf32, #tpu.memory_space<hbm>> -> memref<80x128xf32, #tpu.memory_space<hbm>>
      %dma_start3A_305 = arith.constant 0 : i32
      %dma_start3A_306 = tpu.memref_slice %arg4[%add3A_302, %dma_start3A_305] : memref<320000x128xf32, #tpu.memory_space<hbm>> -> memref<80x128xf32, #tpu.memory_space<hbm>>
      tpu.enqueue_dma source(%arg8 : memref<80x128xf32, #tpu.memory_space<vmem>>) target(%dma_start3A_306 : memref<80x128xf32, #tpu.memory_space<hbm>>) target_semaphore(%arg18 : memref<!tpu.dma_semaphore, #tpu.memory_space<semaphore_mem>>)
      %dma_wait3A_307 = arith.constant 0 : i32
      %dma_wait3A_308 = arith.constant 0 : i32
      %dma_wait3A_309 = tpu.memref_slice %arg4[%dma_wait3A_307, %dma_wait3A_308] : memref<320000x128xf32, #tpu.memory_space<hbm>> -> memref<80x128xf32, #tpu.memory_space<hbm>>
      %dma_wait3A_310 = arith.constant 0 : i32
      %dma_wait3A_311 = arith.constant 0 : i32
      %dma_wait3A_312 = tpu.memref_slice %arg4[%dma_wait3A_310, %dma_wait3A_311] : memref<320000x128xf32, #tpu.memory_space<hbm>> -> memref<80x128xf32, #tpu.memory_space<hbm>>
      tpu.wait_dma2 semaphore(%arg21 : memref<!tpu.dma_semaphore, #tpu.memory_space<semaphore_mem>>) src(%arg11 : memref<80x128xf32, #tpu.memory_space<vmem>>) dst(%dma_wait3A_312 : memref<80x128xf32, #tpu.memory_space<hbm>>)
      %add3A_313 = arith.constant 3 : i32
      %add3A_314 = arith.addi %add3A_293, %add3A_313 : i32
      %dma_start3A_315 = arith.constant 0 : i32
      %dma_start3A_316 = tpu.memref_slice %arg5[%add3A_314, %dma_start3A_315] : memref<125x80xi32, #tpu.memory_space<vmem>> -> memref<1x80xi32, #tpu.memory_space<vmem>>
      %dma_start3A_317 = tpu.memref_squeeze %dma_start3A_316 : memref<1x80xi32, #tpu.memory_space<vmem>> -> memref<80xi32, #tpu.memory_space<vmem>>
      %dma_start3A_318 = arith.constant 0 : i32
      %dma_start3A_319 = arith.constant 0 : i32
      %dma_start3A_320 = tpu.memref_slice %arg6[%dma_start3A_318, %dma_start3A_319] : memref<100x128xf32, #tpu.memory_space<vmem_shared>> -> memref<100x128xf32, #tpu.memory_space<vmem_shared>>
      tpu.enqueue_indirect_dma source(%dma_start3A_320 : memref<100x128xf32, #tpu.memory_space<vmem_shared>>) target(%arg11 : memref<80x128xf32, #tpu.memory_space<vmem>>) offsets(%dma_start3A_317 : memref<80xi32, #tpu.memory_space<vmem>>) semaphore(%arg16 : memref<!tpu.dma_semaphore, #tpu.memory_space<semaphore_mem>>)
      %mul3A_321 = arith.constant 5 : i32
      %mul3A_322 = arith.muli %scan3A_258, %mul3A_321 : i32
      %add3A_323 = arith.constant 2 : i32
      %add3A_324 = arith.addi %mul3A_322, %add3A_323 : i32
      %dma_wait3A_325 = arith.constant 0 : i32
      %dma_wait3A_326 = arith.constant 0 : i32
      %dma_wait3A_327 = tpu.memref_slice %arg4[%dma_wait3A_325, %dma_wait3A_326] : memref<320000x128xf32, #tpu.memory_space<hbm>> -> memref<80x128xf32, #tpu.memory_space<hbm>>
      %dma_wait3A_328 = arith.constant 0 : i32
      %dma_wait3A_329 = arith.constant 0 : i32
      %dma_wait3A_330 = tpu.memref_slice %arg4[%dma_wait3A_328, %dma_wait3A_329] : memref<320000x128xf32, #tpu.memory_space<hbm>> -> memref<80x128xf32, #tpu.memory_space<hbm>>
      tpu.wait_dma2 semaphore(%arg14 : memref<!tpu.dma_semaphore, #tpu.memory_space<semaphore_mem>>) src(%dma_wait3A_330 : memref<80x128xf32, #tpu.memory_space<hbm>>) dst(%arg9 : memref<80x128xf32, #tpu.memory_space<vmem>>)
      %mul3A_331 = arith.constant 80 : i32
      %mul3A_332 = arith.muli %add3A_324, %mul3A_331 : i32
      %add3A_333 = arith.addi %mul3A_2, %mul3A_332 : i32
      %dma_start3A_334 = arith.constant 0 : i32
      %dma_start3A_335 = tpu.memref_slice %arg4[%add3A_333, %dma_start3A_334] : memref<320000x128xf32, #tpu.memory_space<hbm>> -> memref<80x128xf32, #tpu.memory_space<hbm>>
      %dma_start3A_336 = arith.constant 0 : i32
      %dma_start3A_337 = tpu.memref_slice %arg4[%add3A_333, %dma_start3A_336] : memref<320000x128xf32, #tpu.memory_space<hbm>> -> memref<80x128xf32, #tpu.memory_space<hbm>>
      tpu.enqueue_dma source(%arg9 : memref<80x128xf32, #tpu.memory_space<vmem>>) target(%dma_start3A_337 : memref<80x128xf32, #tpu.memory_space<hbm>>) target_semaphore(%arg19 : memref<!tpu.dma_semaphore, #tpu.memory_space<semaphore_mem>>)
      %dma_wait3A_338 = arith.constant 0 : i32
      %dma_wait3A_339 = arith.constant 0 : i32
      %dma_wait3A_340 = tpu.memref_slice %arg4[%dma_wait3A_338, %dma_wait3A_339] : memref<320000x128xf32, #tpu.memory_space<hbm>> -> memref<80x128xf32, #tpu.memory_space<hbm>>
      %dma_wait3A_341 = arith.constant 0 : i32
      %dma_wait3A_342 = arith.constant 0 : i32
      %dma_wait3A_343 = tpu.memref_slice %arg4[%dma_wait3A_341, %dma_wait3A_342] : memref<320000x128xf32, #tpu.memory_space<hbm>> -> memref<80x128xf32, #tpu.memory_space<hbm>>
      tpu.wait_dma2 semaphore(%arg17 : memref<!tpu.dma_semaphore, #tpu.memory_space<semaphore_mem>>) src(%arg7 : memref<80x128xf32, #tpu.memory_space<vmem>>) dst(%dma_wait3A_343 : memref<80x128xf32, #tpu.memory_space<hbm>>)
      %add3A_344 = arith.constant 3 : i32
      %add3A_345 = arith.addi %add3A_324, %add3A_344 : i32
      %dma_start3A_346 = arith.constant 0 : i32
      %dma_start3A_347 = tpu.memref_slice %arg5[%add3A_345, %dma_start3A_346] : memref<125x80xi32, #tpu.memory_space<vmem>> -> memref<1x80xi32, #tpu.memory_space<vmem>>
      %dma_start3A_348 = tpu.memref_squeeze %dma_start3A_347 : memref<1x80xi32, #tpu.memory_space<vmem>> -> memref<80xi32, #tpu.memory_space<vmem>>
      %dma_start3A_349 = arith.constant 0 : i32
      %dma_start3A_350 = arith.constant 0 : i32
      %dma_start3A_351 = tpu.memref_slice %arg6[%dma_start3A_349, %dma_start3A_350] : memref<100x128xf32, #tpu.memory_space<vmem_shared>> -> memref<100x128xf32, #tpu.memory_space<vmem_shared>>
      tpu.enqueue_indirect_dma source(%dma_start3A_351 : memref<100x128xf32, #tpu.memory_space<vmem_shared>>) target(%arg7 : memref<80x128xf32, #tpu.memory_space<vmem>>) offsets(%dma_start3A_348 : memref<80xi32, #tpu.memory_space<vmem>>) semaphore(%arg12 : memref<!tpu.dma_semaphore, #tpu.memory_space<semaphore_mem>>)
      %mul3A_352 = arith.constant 5 : i32
      %mul3A_353 = arith.muli %scan3A_258, %mul3A_352 : i32
      %add3A_354 = arith.constant 3 : i32
      %add3A_355 = arith.addi %mul3A_353, %add3A_354 : i32
      %dma_wait3A_356 = arith.constant 0 : i32
      %dma_wait3A_357 = arith.constant 0 : i32
      %dma_wait3A_358 = tpu.memref_slice %arg4[%dma_wait3A_356, %dma_wait3A_357] : memref<320000x128xf32, #tpu.memory_space<hbm>> -> memref<80x128xf32, #tpu.memory_space<hbm>>
      %dma_wait3A_359 = arith.constant 0 : i32
      %dma_wait3A_360 = arith.constant 0 : i32
      %dma_wait3A_361 = tpu.memref_slice %arg4[%dma_wait3A_359, %dma_wait3A_360] : memref<320000x128xf32, #tpu.memory_space<hbm>> -> memref<80x128xf32, #tpu.memory_space<hbm>>
      tpu.wait_dma2 semaphore(%arg15 : memref<!tpu.dma_semaphore, #tpu.memory_space<semaphore_mem>>) src(%dma_wait3A_361 : memref<80x128xf32, #tpu.memory_space<hbm>>) dst(%arg10 : memref<80x128xf32, #tpu.memory_space<vmem>>)
      %mul3A_362 = arith.constant 80 : i32
      %mul3A_363 = arith.muli %add3A_355, %mul3A_362 : i32
      %add3A_364 = arith.addi %mul3A_2, %mul3A_363 : i32
      %dma_start3A_365 = arith.constant 0 : i32
      %dma_start3A_366 = tpu.memref_slice %arg4[%add3A_364, %dma_start3A_365] : memref<320000x128xf32, #tpu.memory_space<hbm>> -> memref<80x128xf32, #tpu.memory_space<hbm>>
      %dma_start3A_367 = arith.constant 0 : i32
      %dma_start3A_368 = tpu.memref_slice %arg4[%add3A_364, %dma_start3A_367] : memref<320000x128xf32, #tpu.memory_space<hbm>> -> memref<80x128xf32, #tpu.memory_space<hbm>>
      tpu.enqueue_dma source(%arg10 : memref<80x128xf32, #tpu.memory_space<vmem>>) target(%dma_start3A_368 : memref<80x128xf32, #tpu.memory_space<hbm>>) target_semaphore(%arg20 : memref<!tpu.dma_semaphore, #tpu.memory_space<semaphore_mem>>)
      %dma_wait3A_369 = arith.constant 0 : i32
      %dma_wait3A_370 = arith.constant 0 : i32
      %dma_wait3A_371 = tpu.memref_slice %arg4[%dma_wait3A_369, %dma_wait3A_370] : memref<320000x128xf32, #tpu.memory_space<hbm>> -> memref<80x128xf32, #tpu.memory_space<hbm>>
      %dma_wait3A_372 = arith.constant 0 : i32
      %dma_wait3A_373 = arith.constant 0 : i32
      %dma_wait3A_374 = tpu.memref_slice %arg4[%dma_wait3A_372, %dma_wait3A_373] : memref<320000x128xf32, #tpu.memory_space<hbm>> -> memref<80x128xf32, #tpu.memory_space<hbm>>
      tpu.wait_dma2 semaphore(%arg18 : memref<!tpu.dma_semaphore, #tpu.memory_space<semaphore_mem>>) src(%arg8 : memref<80x128xf32, #tpu.memory_space<vmem>>) dst(%dma_wait3A_374 : memref<80x128xf32, #tpu.memory_space<hbm>>)
      %add3A_375 = arith.constant 3 : i32
      %add3A_376 = arith.addi %add3A_355, %add3A_375 : i32
      %dma_start3A_377 = arith.constant 0 : i32
      %dma_start3A_378 = tpu.memref_slice %arg5[%add3A_376, %dma_start3A_377] : memref<125x80xi32, #tpu.memory_space<vmem>> -> memref<1x80xi32, #tpu.memory_space<vmem>>
      %dma_start3A_379 = tpu.memref_squeeze %dma_start3A_378 : memref<1x80xi32, #tpu.memory_space<vmem>> -> memref<80xi32, #tpu.memory_space<vmem>>
      %dma_start3A_380 = arith.constant 0 : i32
      %dma_start3A_381 = arith.constant 0 : i32
      %dma_start3A_382 = tpu.memref_slice %arg6[%dma_start3A_380, %dma_start3A_381] : memref<100x128xf32, #tpu.memory_space<vmem_shared>> -> memref<100x128xf32, #tpu.memory_space<vmem_shared>>
      tpu.enqueue_indirect_dma source(%dma_start3A_382 : memref<100x128xf32, #tpu.memory_space<vmem_shared>>) target(%arg8 : memref<80x128xf32, #tpu.memory_space<vmem>>) offsets(%dma_start3A_379 : memref<80xi32, #tpu.memory_space<vmem>>) semaphore(%arg13 : memref<!tpu.dma_semaphore, #tpu.memory_space<semaphore_mem>>)
      %mul3A_383 = arith.constant 5 : i32
      %mul3A_384 = arith.muli %scan3A_258, %mul3A_383 : i32
      %add3A_385 = arith.constant 4 : i32
      %add3A_386 = arith.addi %mul3A_384, %add3A_385 : i32
      %dma_wait3A_387 = arith.constant 0 : i32
      %dma_wait3A_388 = arith.constant 0 : i32
      %dma_wait3A_389 = tpu.memref_slice %arg4[%dma_wait3A_387, %dma_wait3A_388] : memref<320000x128xf32, #tpu.memory_space<hbm>> -> memref<80x128xf32, #tpu.memory_space<hbm>>
      %dma_wait3A_390 = arith.constant 0 : i32
      %dma_wait3A_391 = arith.constant 0 : i32
      %dma_wait3A_392 = tpu.memref_slice %arg4[%dma_wait3A_390, %dma_wait3A_391] : memref<320000x128xf32, #tpu.memory_space<hbm>> -> memref<80x128xf32, #tpu.memory_space<hbm>>
      tpu.wait_dma2 semaphore(%arg16 : memref<!tpu.dma_semaphore, #tpu.memory_space<semaphore_mem>>) src(%dma_wait3A_392 : memref<80x128xf32, #tpu.memory_space<hbm>>) dst(%arg11 : memref<80x128xf32, #tpu.memory_space<vmem>>)
      %mul3A_393 = arith.constant 80 : i32
      %mul3A_394 = arith.muli %add3A_386, %mul3A_393 : i32
      %add3A_395 = arith.addi %mul3A_2, %mul3A_394 : i32
      %dma_start3A_396 = arith.constant 0 : i32
      %dma_start3A_397 = tpu.memref_slice %arg4[%add3A_395, %dma_start3A_396] : memref<320000x128xf32, #tpu.memory_space<hbm>> -> memref<80x128xf32, #tpu.memory_space<hbm>>
      %dma_start3A_398 = arith.constant 0 : i32
      %dma_start3A_399 = tpu.memref_slice %arg4[%add3A_395, %dma_start3A_398] : memref<320000x128xf32, #tpu.memory_space<hbm>> -> memref<80x128xf32, #tpu.memory_space<hbm>>
      tpu.enqueue_dma source(%arg11 : memref<80x128xf32, #tpu.memory_space<vmem>>) target(%dma_start3A_399 : memref<80x128xf32, #tpu.memory_space<hbm>>) target_semaphore(%arg21 : memref<!tpu.dma_semaphore, #tpu.memory_space<semaphore_mem>>)
      %dma_wait3A_400 = arith.constant 0 : i32
      %dma_wait3A_401 = arith.constant 0 : i32
      %dma_wait3A_402 = tpu.memref_slice %arg4[%dma_wait3A_400, %dma_wait3A_401] : memref<320000x128xf32, #tpu.memory_space<hbm>> -> memref<80x128xf32, #tpu.memory_space<hbm>>
      %dma_wait3A_403 = arith.constant 0 : i32
      %dma_wait3A_404 = arith.constant 0 : i32
      %dma_wait3A_405 = tpu.memref_slice %arg4[%dma_wait3A_403, %dma_wait3A_404] : memref<320000x128xf32, #tpu.memory_space<hbm>> -> memref<80x128xf32, #tpu.memory_space<hbm>>
      tpu.wait_dma2 semaphore(%arg19 : memref<!tpu.dma_semaphore, #tpu.memory_space<semaphore_mem>>) src(%arg9 : memref<80x128xf32, #tpu.memory_space<vmem>>) dst(%dma_wait3A_405 : memref<80x128xf32, #tpu.memory_space<hbm>>)
      %add3A_406 = arith.constant 3 : i32
      %add3A_407 = arith.addi %add3A_386, %add3A_406 : i32
      %dma_start3A_408 = arith.constant 0 : i32
      %dma_start3A_409 = tpu.memref_slice %arg5[%add3A_407, %dma_start3A_408] : memref<125x80xi32, #tpu.memory_space<vmem>> -> memref<1x80xi32, #tpu.memory_space<vmem>>
      %dma_start3A_410 = tpu.memref_squeeze %dma_start3A_409 : memref<1x80xi32, #tpu.memory_space<vmem>> -> memref<80xi32, #tpu.memory_space<vmem>>
      %dma_start3A_411 = arith.constant 0 : i32
      %dma_start3A_412 = arith.constant 0 : i32
      %dma_start3A_413 = tpu.memref_slice %arg6[%dma_start3A_411, %dma_start3A_412] : memref<100x128xf32, #tpu.memory_space<vmem_shared>> -> memref<100x128xf32, #tpu.memory_space<vmem_shared>>
      tpu.enqueue_indirect_dma source(%dma_start3A_413 : memref<100x128xf32, #tpu.memory_space<vmem_shared>>) target(%arg9 : memref<80x128xf32, #tpu.memory_space<vmem>>) offsets(%dma_start3A_410 : memref<80xi32, #tpu.memory_space<vmem>>) semaphore(%arg14 : memref<!tpu.dma_semaphore, #tpu.memory_space<semaphore_mem>>)
    }
    %scan3A_141 = arith.constant 23 : i32
    %dma_wait3A_142 = arith.constant 0 : i32
    %dma_wait3A_143 = arith.constant 0 : i32
    %dma_wait3A_144 = tpu.memref_slice %arg4[%dma_wait3A_142, %dma_wait3A_143] : memref<320000x128xf32, #tpu.memory_space<hbm>> -> memref<80x128xf32, #tpu.memory_space<hbm>>
    %dma_wait3A_145 = arith.constant 0 : i32
    %dma_wait3A_146 = arith.constant 0 : i32
    %dma_wait3A_147 = tpu.memref_slice %arg4[%dma_wait3A_145, %dma_wait3A_146] : memref<320000x128xf32, #tpu.memory_space<hbm>> -> memref<80x128xf32, #tpu.memory_space<hbm>>
    tpu.wait_dma2 semaphore(%arg20 : memref<!tpu.dma_semaphore, #tpu.memory_space<semaphore_mem>>) src(%arg10 : memref<80x128xf32, #tpu.memory_space<vmem>>) dst(%dma_wait3A_147 : memref<80x128xf32, #tpu.memory_space<hbm>>)
    %dma_start3A_148 = arith.constant 123 : i32
    %dma_start3A_149 = arith.constant 0 : i32
    %dma_start3A_150 = tpu.memref_slice %arg5[%dma_start3A_148, %dma_start3A_149] : memref<125x80xi32, #tpu.memory_space<vmem>> -> memref<1x80xi32, #tpu.memory_space<vmem>>
    %dma_start3A_151 = tpu.memref_squeeze %dma_start3A_150 : memref<1x80xi32, #tpu.memory_space<vmem>> -> memref<80xi32, #tpu.memory_space<vmem>>
    %dma_start3A_152 = arith.constant 0 : i32
    %dma_start3A_153 = arith.constant 0 : i32
    %dma_start3A_154 = tpu.memref_slice %arg6[%dma_start3A_152, %dma_start3A_153] : memref<100x128xf32, #tpu.memory_space<vmem_shared>> -> memref<100x128xf32, #tpu.memory_space<vmem_shared>>
    tpu.enqueue_indirect_dma source(%dma_start3A_154 : memref<100x128xf32, #tpu.memory_space<vmem_shared>>) target(%arg10 : memref<80x128xf32, #tpu.memory_space<vmem>>) offsets(%dma_start3A_151 : memref<80xi32, #tpu.memory_space<vmem>>) semaphore(%arg15 : memref<!tpu.dma_semaphore, #tpu.memory_space<semaphore_mem>>)
    %dma_wait3A_155 = arith.constant 0 : i32
    %dma_wait3A_156 = arith.constant 0 : i32
    %dma_wait3A_157 = tpu.memref_slice %arg4[%dma_wait3A_155, %dma_wait3A_156] : memref<320000x128xf32, #tpu.memory_space<hbm>> -> memref<80x128xf32, #tpu.memory_space<hbm>>
    %dma_wait3A_158 = arith.constant 0 : i32
    %dma_wait3A_159 = arith.constant 0 : i32
    %dma_wait3A_160 = tpu.memref_slice %arg4[%dma_wait3A_158, %dma_wait3A_159] : memref<320000x128xf32, #tpu.memory_space<hbm>> -> memref<80x128xf32, #tpu.memory_space<hbm>>
    tpu.wait_dma2 semaphore(%arg12 : memref<!tpu.dma_semaphore, #tpu.memory_space<semaphore_mem>>) src(%dma_wait3A_160 : memref<80x128xf32, #tpu.memory_space<hbm>>) dst(%arg7 : memref<80x128xf32, #tpu.memory_space<vmem>>)
    %add3A_161 = arith.constant 9600 : i32
    %add3A_162 = arith.addi %mul3A_2, %add3A_161 : i32
    %dma_start3A_163 = arith.constant 0 : i32
    %dma_start3A_164 = tpu.memref_slice %arg4[%add3A_162, %dma_start3A_163] : memref<320000x128xf32, #tpu.memory_space<hbm>> -> memref<80x128xf32, #tpu.memory_space<hbm>>
    %dma_start3A_165 = arith.constant 0 : i32
    %dma_start3A_166 = tpu.memref_slice %arg4[%add3A_162, %dma_start3A_165] : memref<320000x128xf32, #tpu.memory_space<hbm>> -> memref<80x128xf32, #tpu.memory_space<hbm>>
    tpu.enqueue_dma source(%arg7 : memref<80x128xf32, #tpu.memory_space<vmem>>) target(%dma_start3A_166 : memref<80x128xf32, #tpu.memory_space<hbm>>) target_semaphore(%arg17 : memref<!tpu.dma_semaphore, #tpu.memory_space<semaphore_mem>>)
    %dma_wait3A_167 = arith.constant 0 : i32
    %dma_wait3A_168 = arith.constant 0 : i32
    %dma_wait3A_169 = tpu.memref_slice %arg4[%dma_wait3A_167, %dma_wait3A_168] : memref<320000x128xf32, #tpu.memory_space<hbm>> -> memref<80x128xf32, #tpu.memory_space<hbm>>
    %dma_wait3A_170 = arith.constant 0 : i32
    %dma_wait3A_171 = arith.constant 0 : i32
    %dma_wait3A_172 = tpu.memref_slice %arg4[%dma_wait3A_170, %dma_wait3A_171] : memref<320000x128xf32, #tpu.memory_space<hbm>> -> memref<80x128xf32, #tpu.memory_space<hbm>>
    tpu.wait_dma2 semaphore(%arg21 : memref<!tpu.dma_semaphore, #tpu.memory_space<semaphore_mem>>) src(%arg11 : memref<80x128xf32, #tpu.memory_space<vmem>>) dst(%dma_wait3A_172 : memref<80x128xf32, #tpu.memory_space<hbm>>)
    %dma_start3A_173 = arith.constant 124 : i32
    %dma_start3A_174 = arith.constant 0 : i32
    %dma_start3A_175 = tpu.memref_slice %arg5[%dma_start3A_173, %dma_start3A_174] : memref<125x80xi32, #tpu.memory_space<vmem>> -> memref<1x80xi32, #tpu.memory_space<vmem>>
    %dma_start3A_176 = tpu.memref_squeeze %dma_start3A_175 : memref<1x80xi32, #tpu.memory_space<vmem>> -> memref<80xi32, #tpu.memory_space<vmem>>
    %dma_start3A_177 = arith.constant 0 : i32
    %dma_start3A_178 = arith.constant 0 : i32
    %dma_start3A_179 = tpu.memref_slice %arg6[%dma_start3A_177, %dma_start3A_178] : memref<100x128xf32, #tpu.memory_space<vmem_shared>> -> memref<100x128xf32, #tpu.memory_space<vmem_shared>>
    tpu.enqueue_indirect_dma source(%dma_start3A_179 : memref<100x128xf32, #tpu.memory_space<vmem_shared>>) target(%arg11 : memref<80x128xf32, #tpu.memory_space<vmem>>) offsets(%dma_start3A_176 : memref<80xi32, #tpu.memory_space<vmem>>) semaphore(%arg16 : memref<!tpu.dma_semaphore, #tpu.memory_space<semaphore_mem>>)
    %dma_wait3A_180 = arith.constant 0 : i32
    %dma_wait3A_181 = arith.constant 0 : i32
    %dma_wait3A_182 = tpu.memref_slice %arg4[%dma_wait3A_180, %dma_wait3A_181] : memref<320000x128xf32, #tpu.memory_space<hbm>> -> memref<80x128xf32, #tpu.memory_space<hbm>>
    %dma_wait3A_183 = arith.constant 0 : i32
    %dma_wait3A_184 = arith.constant 0 : i32
    %dma_wait3A_185 = tpu.memref_slice %arg4[%dma_wait3A_183, %dma_wait3A_184] : memref<320000x128xf32, #tpu.memory_space<hbm>> -> memref<80x128xf32, #tpu.memory_space<hbm>>
    tpu.wait_dma2 semaphore(%arg13 : memref<!tpu.dma_semaphore, #tpu.memory_space<semaphore_mem>>) src(%dma_wait3A_185 : memref<80x128xf32, #tpu.memory_space<hbm>>) dst(%arg8 : memref<80x128xf32, #tpu.memory_space<vmem>>)
    %add3A_186 = arith.constant 9680 : i32
    %add3A_187 = arith.addi %mul3A_2, %add3A_186 : i32
    %dma_start3A_188 = arith.constant 0 : i32
    %dma_start3A_189 = tpu.memref_slice %arg4[%add3A_187, %dma_start3A_188] : memref<320000x128xf32, #tpu.memory_space<hbm>> -> memref<80x128xf32, #tpu.memory_space<hbm>>
    %dma_start3A_190 = arith.constant 0 : i32
    %dma_start3A_191 = tpu.memref_slice %arg4[%add3A_187, %dma_start3A_190] : memref<320000x128xf32, #tpu.memory_space<hbm>> -> memref<80x128xf32, #tpu.memory_space<hbm>>
    tpu.enqueue_dma source(%arg8 : memref<80x128xf32, #tpu.memory_space<vmem>>) target(%dma_start3A_191 : memref<80x128xf32, #tpu.memory_space<hbm>>) target_semaphore(%arg18 : memref<!tpu.dma_semaphore, #tpu.memory_space<semaphore_mem>>)
    %dma_wait3A_192 = arith.constant 0 : i32
    %dma_wait3A_193 = arith.constant 0 : i32
    %dma_wait3A_194 = tpu.memref_slice %arg4[%dma_wait3A_192, %dma_wait3A_193] : memref<320000x128xf32, #tpu.memory_space<hbm>> -> memref<80x128xf32, #tpu.memory_space<hbm>>
    %dma_wait3A_195 = arith.constant 0 : i32
    %dma_wait3A_196 = arith.constant 0 : i32
    %dma_wait3A_197 = tpu.memref_slice %arg4[%dma_wait3A_195, %dma_wait3A_196] : memref<320000x128xf32, #tpu.memory_space<hbm>> -> memref<80x128xf32, #tpu.memory_space<hbm>>
    tpu.wait_dma2 semaphore(%arg14 : memref<!tpu.dma_semaphore, #tpu.memory_space<semaphore_mem>>) src(%dma_wait3A_197 : memref<80x128xf32, #tpu.memory_space<hbm>>) dst(%arg9 : memref<80x128xf32, #tpu.memory_space<vmem>>)
    %add3A_198 = arith.constant 9760 : i32
    %add3A_199 = arith.addi %mul3A_2, %add3A_198 : i32
    %dma_start3A_200 = arith.constant 0 : i32
    %dma_start3A_201 = tpu.memref_slice %arg4[%add3A_199, %dma_start3A_200] : memref<320000x128xf32, #tpu.memory_space<hbm>> -> memref<80x128xf32, #tpu.memory_space<hbm>>
    %dma_start3A_202 = arith.constant 0 : i32
    %dma_start3A_203 = tpu.memref_slice %arg4[%add3A_199, %dma_start3A_202] : memref<320000x128xf32, #tpu.memory_space<hbm>> -> memref<80x128xf32, #tpu.memory_space<hbm>>
    tpu.enqueue_dma source(%arg9 : memref<80x128xf32, #tpu.memory_space<vmem>>) target(%dma_start3A_203 : memref<80x128xf32, #tpu.memory_space<hbm>>) target_semaphore(%arg19 : memref<!tpu.dma_semaphore, #tpu.memory_space<semaphore_mem>>)
    %dma_wait3A_204 = arith.constant 0 : i32
    %dma_wait3A_205 = arith.constant 0 : i32
    %dma_wait3A_206 = tpu.memref_slice %arg4[%dma_wait3A_204, %dma_wait3A_205] : memref<320000x128xf32, #tpu.memory_space<hbm>> -> memref<80x128xf32, #tpu.memory_space<hbm>>
    %dma_wait3A_207 = arith.constant 0 : i32
    %dma_wait3A_208 = arith.constant 0 : i32
    %dma_wait3A_209 = tpu.memref_slice %arg4[%dma_wait3A_207, %dma_wait3A_208] : memref<320000x128xf32, #tpu.memory_space<hbm>> -> memref<80x128xf32, #tpu.memory_space<hbm>>
    tpu.wait_dma2 semaphore(%arg15 : memref<!tpu.dma_semaphore, #tpu.memory_space<semaphore_mem>>) src(%dma_wait3A_209 : memref<80x128xf32, #tpu.memory_space<hbm>>) dst(%arg10 : memref<80x128xf32, #tpu.memory_space<vmem>>)
    %add3A_210 = arith.constant 9840 : i32
    %add3A_211 = arith.addi %mul3A_2, %add3A_210 : i32
    %dma_start3A_212 = arith.constant 0 : i32
    %dma_start3A_213 = tpu.memref_slice %arg4[%add3A_211, %dma_start3A_212] : memref<320000x128xf32, #tpu.memory_space<hbm>> -> memref<80x128xf32, #tpu.memory_space<hbm>>
    %dma_start3A_214 = arith.constant 0 : i32
    %dma_start3A_215 = tpu.memref_slice %arg4[%add3A_211, %dma_start3A_214] : memref<320000x128xf32, #tpu.memory_space<hbm>> -> memref<80x128xf32, #tpu.memory_space<hbm>>
    tpu.enqueue_dma source(%arg10 : memref<80x128xf32, #tpu.memory_space<vmem>>) target(%dma_start3A_215 : memref<80x128xf32, #tpu.memory_space<hbm>>) target_semaphore(%arg20 : memref<!tpu.dma_semaphore, #tpu.memory_space<semaphore_mem>>)
    %dma_wait3A_216 = arith.constant 0 : i32
    %dma_wait3A_217 = arith.constant 0 : i32
    %dma_wait3A_218 = tpu.memref_slice %arg4[%dma_wait3A_216, %dma_wait3A_217] : memref<320000x128xf32, #tpu.memory_space<hbm>> -> memref<80x128xf32, #tpu.memory_space<hbm>>
    %dma_wait3A_219 = arith.constant 0 : i32
    %dma_wait3A_220 = arith.constant 0 : i32
    %dma_wait3A_221 = tpu.memref_slice %arg4[%dma_wait3A_219, %dma_wait3A_220] : memref<320000x128xf32, #tpu.memory_space<hbm>> -> memref<80x128xf32, #tpu.memory_space<hbm>>
    tpu.wait_dma2 semaphore(%arg16 : memref<!tpu.dma_semaphore, #tpu.memory_space<semaphore_mem>>) src(%dma_wait3A_221 : memref<80x128xf32, #tpu.memory_space<hbm>>) dst(%arg11 : memref<80x128xf32, #tpu.memory_space<vmem>>)
    %add3A_222 = arith.constant 9920 : i32
    %add3A_223 = arith.addi %mul3A_2, %add3A_222 : i32
    %dma_start3A_224 = arith.constant 0 : i32
    %dma_start3A_225 = tpu.memref_slice %arg4[%add3A_223, %dma_start3A_224] : memref<320000x128xf32, #tpu.memory_space<hbm>> -> memref<80x128xf32, #tpu.memory_space<hbm>>
    %dma_start3A_226 = arith.constant 0 : i32
    %dma_start3A_227 = tpu.memref_slice %arg4[%add3A_223, %dma_start3A_226] : memref<320000x128xf32, #tpu.memory_space<hbm>> -> memref<80x128xf32, #tpu.memory_space<hbm>>
    tpu.enqueue_dma source(%arg11 : memref<80x128xf32, #tpu.memory_space<vmem>>) target(%dma_start3A_227 : memref<80x128xf32, #tpu.memory_space<hbm>>) target_semaphore(%arg21 : memref<!tpu.dma_semaphore, #tpu.memory_space<semaphore_mem>>)
    %dma_wait3A_228 = arith.constant 0 : i32
    %dma_wait3A_229 = arith.constant 0 : i32
    %dma_wait3A_230 = tpu.memref_slice %arg4[%dma_wait3A_228, %dma_wait3A_229] : memref<320000x128xf32, #tpu.memory_space<hbm>> -> memref<80x128xf32, #tpu.memory_space<hbm>>
    %dma_wait3A_231 = arith.constant 0 : i32
    %dma_wait3A_232 = arith.constant 0 : i32
    %dma_wait3A_233 = tpu.memref_slice %arg4[%dma_wait3A_231, %dma_wait3A_232] : memref<320000x128xf32, #tpu.memory_space<hbm>> -> memref<80x128xf32, #tpu.memory_space<hbm>>
    tpu.wait_dma2 semaphore(%arg17 : memref<!tpu.dma_semaphore, #tpu.memory_space<semaphore_mem>>) src(%arg7 : memref<80x128xf32, #tpu.memory_space<vmem>>) dst(%dma_wait3A_233 : memref<80x128xf32, #tpu.memory_space<hbm>>)
    %dma_wait3A_234 = arith.constant 0 : i32
    %dma_wait3A_235 = arith.constant 0 : i32
    %dma_wait3A_236 = tpu.memref_slice %arg4[%dma_wait3A_234, %dma_wait3A_235] : memref<320000x128xf32, #tpu.memory_space<hbm>> -> memref<80x128xf32, #tpu.memory_space<hbm>>
    %dma_wait3A_237 = arith.constant 0 : i32
    %dma_wait3A_238 = arith.constant 0 : i32
    %dma_wait3A_239 = tpu.memref_slice %arg4[%dma_wait3A_237, %dma_wait3A_238] : memref<320000x128xf32, #tpu.memory_space<hbm>> -> memref<80x128xf32, #tpu.memory_space<hbm>>
    tpu.wait_dma2 semaphore(%arg18 : memref<!tpu.dma_semaphore, #tpu.memory_space<semaphore_mem>>) src(%arg8 : memref<80x128xf32, #tpu.memory_space<vmem>>) dst(%dma_wait3A_239 : memref<80x128xf32, #tpu.memory_space<hbm>>)
    %dma_wait3A_240 = arith.constant 0 : i32
    %dma_wait3A_241 = arith.constant 0 : i32
    %dma_wait3A_242 = tpu.memref_slice %arg4[%dma_wait3A_240, %dma_wait3A_241] : memref<320000x128xf32, #tpu.memory_space<hbm>> -> memref<80x128xf32, #tpu.memory_space<hbm>>
    %dma_wait3A_243 = arith.constant 0 : i32
    %dma_wait3A_244 = arith.constant 0 : i32
    %dma_wait3A_245 = tpu.memref_slice %arg4[%dma_wait3A_243, %dma_wait3A_244] : memref<320000x128xf32, #tpu.memory_space<hbm>> -> memref<80x128xf32, #tpu.memory_space<hbm>>
    tpu.wait_dma2 semaphore(%arg19 : memref<!tpu.dma_semaphore, #tpu.memory_space<semaphore_mem>>) src(%arg9 : memref<80x128xf32, #tpu.memory_space<vmem>>) dst(%dma_wait3A_245 : memref<80x128xf32, #tpu.memory_space<hbm>>)
    %dma_wait3A_246 = arith.constant 0 : i32
    %dma_wait3A_247 = arith.constant 0 : i32
    %dma_wait3A_248 = tpu.memref_slice %arg4[%dma_wait3A_246, %dma_wait3A_247] : memref<320000x128xf32, #tpu.memory_space<hbm>> -> memref<80x128xf32, #tpu.memory_space<hbm>>
    %dma_wait3A_249 = arith.constant 0 : i32
    %dma_wait3A_250 = arith.constant 0 : i32
    %dma_wait3A_251 = tpu.memref_slice %arg4[%dma_wait3A_249, %dma_wait3A_250] : memref<320000x128xf32, #tpu.memory_space<hbm>> -> memref<80x128xf32, #tpu.memory_space<hbm>>
    tpu.wait_dma2 semaphore(%arg20 : memref<!tpu.dma_semaphore, #tpu.memory_space<semaphore_mem>>) src(%arg10 : memref<80x128xf32, #tpu.memory_space<vmem>>) dst(%dma_wait3A_251 : memref<80x128xf32, #tpu.memory_space<hbm>>)
    %dma_wait3A_252 = arith.constant 0 : i32
    %dma_wait3A_253 = arith.constant 0 : i32
    %dma_wait3A_254 = tpu.memref_slice %arg4[%dma_wait3A_252, %dma_wait3A_253] : memref<320000x128xf32, #tpu.memory_space<hbm>> -> memref<80x128xf32, #tpu.memory_space<hbm>>
    %dma_wait3A_255 = arith.constant 0 : i32
    %dma_wait3A_256 = arith.constant 0 : i32
    %dma_wait3A_257 = tpu.memref_slice %arg4[%dma_wait3A_255, %dma_wait3A_256] : memref<320000x128xf32, #tpu.memory_space<hbm>> -> memref<80x128xf32, #tpu.memory_space<hbm>>
    tpu.wait_dma2 semaphore(%arg21 : memref<!tpu.dma_semaphore, #tpu.memory_space<semaphore_mem>>) src(%arg11 : memref<80x128xf32, #tpu.memory_space<vmem>>) dst(%dma_wait3A_257 : memref<80x128xf32, #tpu.memory_space<hbm>>)
    return
  }
}

</mosaic_0001>

<sc_bundles>
// kernel: kernel.3.cloned.1.call-start
scs
__scs_entry_jumppad:
0x0: {  	(pc) =	sbr.rel $0x88, $3  }
0x1: {  	(tag) =	ssettag $0x0;
	lr =	simm.s32 $0x1  }
0x2: {  	[smem:$0x3F9F] =	sst lr;
	_ =	strace $0xD0000000  }
0x3: {  	_ = 	snop  }
0x4: {  	_ = 	snop  }
0x5: {  	_ = 	snop  }
0x6: {  	_ = 	snop  }
0x7: {  	_ = 	snop  }
__scs_overlays_trampoline_lowered:
0x8: {  	[smem:$0x3FAE] =	sst s0  }
0x9: {  	[smem:$0x3FAF] =	sst s1  }
0xa: {  	[smem:$0x3FB0] =	sst s2  }
0xb: {  	[smem:$0x3FB1] =	sst s3  }
0xc: {  	[smem:$0x3FB2] =	sst s4  }
0xd: {  	[smem:$0x3FB3] =	sst s5  }
0xe: {  	[smem:$0x3FB4] =	sst s6  }
0xf: {  	[smem:$0x3FB5] =	sst s7  }
0x10: {  	[smem:$0x3FB6] =	sst s8  }
0x11: {  	[smem:$0x3FB7] =	sst s9;
	s0 =	simm.s32 @!p0 $0x0  }
0x12: {  	s1 =	sld [smem:$0x3F9D];
	s0 =	simm.s32 @p0 $0x1  }
0x13: {  	[smem:$0x3FB8] =	sst s0;
	s0 =	simm.s32 @!p1 $0x0  }
0x14: {  	s2 =	sld [smem:$0x3F9C];
	s0 =	simm.s32 @p1 $0x1  }
0x15: {  	[smem:$0x3FB9] =	sst s0;
	s0 =	simm.s32 @!p2 $0x0  }
0x16: {  	s3 =	sld [smem:$0x3FDB];
	s0 =	simm.s32 @p2 $0x1  }
0x17: {  	s4 =	simm.s32 $0x1BF5;
	[smem:$0x3FBB] =	sst s0  }
0x18: {  	s0 =	sld [smem:$0x3F9E];
	_ =	swait.ge [sflag:s4], $0x0  }
0x19: {  	s7 =	sld [smem:$0x3F9F]  }
0x1a: {  	s8 =	sadd.s32 $0xFFFFE003, lr  }
0x1b: {  	s9 =	sadd.s32 $0xFFFFFEF7, lr;
	s5 =	simm.s32 $0xFFFFFFFF;
	p2 =	slt.u32 s8, $0xFFFFF086  }
0x1c: {  	p1 =	slt.u32 s9, $0xF7A;
	s5 =	simm.s32 @!p2 $0x0  }
0x1d: {  	s5 =	simm.s32 @p1 $0x1;
	p0 =	seq.s32 s7, s2  }
0x1e: {  	s7 =	smul.u32 @!p0 $0xF7A, s2;
	p2 =	seq.s32 @!p0 s5, $0x0  }
0x1f: {  	s9 =	smul.u32 $0xF7A, s1;
	s8 =	simm.s32 @!p0 $0x1BF5;
	p2 =	por !p2, p0  }
0x20: {  	[sflag:s8] =	ssyncset.s32 @!p0 $0xFFFFF086;
	s6 =	sadd.s32 @!p0 s3, s7;
	s7 =	simm.s32 @!p0 $0x108  }
0x21: {  	s3 =	sadd.s32 s3, s9;
	s6 =	sadd.s32 @!p0 $0x88, s6;
	s7 =	simm.s32 @p2 $0x1082  }
0x22: {  	[simem:s7], [sflag:s8] =	dma.local @!p0 [hbm:s6], $0xF7A  }
0x23: {  	s9 =	sor.u32 $0xD0000000, s2;
	s6 =	simm.s32 $0x108;
	_ =	swait.ge @!p0 [sflag:s8], $0x0  }
0x24: {  	s3 =	sadd.s32 $0x88, s3;
	s6 =	simm.s32 @!p1 $0x1082;
	[sflag:s4] =	ssyncset.s32 $0xFFFFF086  }
0x25: {  	[simem:s6], [sflag:s4] =	dma.local [hbm:s3], $0xF7A  }
0x26: {  	[smem:$0x3F9F] =	sst s1;
	(tag) =	ssettag s2;
	_ =	strace s9  }
0x27: {  	s1 =	sld [smem:$0x3FAF]  }
0x28: {  	s2 =	sld [smem:$0x3FB0]  }
0x29: {  	s4 =	sld [smem:$0x3FB2]  }
0x2a: {  	p0 =	seq.s32 s5, $0x0;
	s5 =	sld [smem:$0x3FB3]  }
0x2b: {  	s6 =	sld [smem:$0x3FB4]  }
0x2c: {  	s7 =	sld [smem:$0x3FB5]  }
0x2d: {  	s3 =	simm.s32 $0x108;
	s8 =	sld [smem:$0x3FB6]  }
0x2e: {  	s3 =	simm.s32 @!p0 $0x1082;
	s9 =	sld [smem:$0x3FB7]  }
0x2f: {  	lr =	sadd.s32 s0, s3;
	s0 =	sld [smem:$0x3FAE]  }
0x30: {  	s3 =	sld [smem:$0x3FB1]  }
0x31: {  	[smem:$0x3FBA] =	sst s10  }
0x32: {  	s10 =	sld [smem:$0x3FB8];
	_ =	sdelay $0x3  }
0x33: {  	p0 =	seq.s32 s10, $0x1;
	s10 =	sld [smem:$0x3FBA];
	_ =	sdelay $0x3  }
0x34: {  	[smem:$0x3FBA] =	sst s10  }
0x35: {  	s10 =	sld [smem:$0x3FB9];
	_ =	sdelay $0x3  }
0x36: {  	p1 =	seq.s32 s10, $0x1;
	s10 =	sld [smem:$0x3FBA];
	_ =	sdelay $0x3  }
0x37: {  	[smem:$0x3FBA] =	sst s10  }
0x38: {  	s10 =	sld [smem:$0x3FBB]  }
0x39: {  	_ = 	snop;
	(pc) =	sbr.ind lr, $3  }
0x3a: {  	_ = 	snop  }
0x3b: {  	_ = 	snop  }
0x3c: {  	p2 =	seq.s32 s10, $0x1;
	s10 =	sld [smem:$0x3FBA]  }
0x3d: {  	_ =	shalt  }
0x3e: {  	_ =	shalt  }
0x3f: {  	_ =	shalt  }
0x40: {  	_ =	shalt  }
0x41: {  	_ =	shalt  }
0x42: {  	_ =	shalt  }
0x43: {  	_ =	shalt  }
0x44: {  	_ =	shalt  }
0x45: {  	_ =	shalt  }
0x46: {  	_ =	shalt  }
0x47: {  	_ =	shalt  }
0x48: {  	_ =	shalt  }
0x49: {  	_ =	shalt  }
0x4a: {  	_ =	shalt  }
0x4b: {  	_ =	shalt  }
0x4c: {  	_ =	shalt  }
0x4d: {  	_ =	shalt  }
0x4e: {  	_ =	shalt  }
0x4f: {  	_ =	shalt  }
0x50: {  	_ =	shalt  }
0x51: {  	_ =	shalt  }
0x52: {  	_ =	shalt  }
0x53: {  	_ =	shalt  }
0x54: {  	_ =	shalt  }
0x55: {  	_ =	shalt  }
0x56: {  	_ =	shalt  }
0x57: {  	_ =	shalt  }
0x58: {  	_ =	shalt  }
0x59: {  	_ =	shalt  }
0x5a: {  	_ =	shalt  }
0x5b: {  	_ =	shalt  }
0x5c: {  	_ =	shalt  }
0x5d: {  	_ =	shalt  }
0x5e: {  	_ =	shalt  }
0x5f: {  	_ =	shalt  }
0x60: {  	_ =	shalt  }
0x61: {  	_ =	shalt  }
0x62: {  	_ =	shalt  }
0x63: {  	_ =	shalt  }
0x64: {  	_ =	shalt  }
0x65: {  	_ =	shalt  }
0x66: {  	_ =	shalt  }
0x67: {  	_ =	shalt  }
0x68: {  	_ =	shalt  }
0x69: {  	_ =	shalt  }
0x6a: {  	_ =	shalt  }
0x6b: {  	_ =	shalt  }
0x6c: {  	_ =	shalt  }
0x6d: {  	_ =	shalt  }
0x6e: {  	_ =	shalt  }
0x6f: {  	_ =	shalt  }
0x70: {  	_ =	shalt  }
0x71: {  	_ =	shalt  }
0x72: {  	_ =	shalt  }
0x73: {  	_ =	shalt  }
0x74: {  	_ =	shalt  }
0x75: {  	_ =	shalt  }
0x76: {  	_ =	shalt  }
0x77: {  	_ =	shalt  }
0x78: {  	_ =	shalt  }
0x79: {  	_ =	shalt  }
0x7a: {  	_ =	shalt  }
0x7b: {  	_ =	shalt  }
0x7c: {  	_ =	shalt  }
0x7d: {  	_ =	shalt  }
0x7e: {  	_ =	shalt  }
0x7f: {  	_ =	shalt  }
0x80: {  	_ =	shalt  }
0x81: {  	_ =	shalt  }
0x82: {  	_ =	shalt  }
0x83: {  	_ =	shalt  }
0x84: {  	_ =	shalt  }
0x85: {  	_ =	shalt  }
0x86: {  	_ =	shalt  }
0x87: {  	_ =	shalt  }
.Lfunc_end0:
.L_simem_size_0:
called_computation_lowered:
.L_overlay_start_0:
0x88: {  	s2 =	sld [smem:$0x3FD9]  }
0x89: {  	s3 =	sld [smem:$0x3FFE];
	_ =	sdelay $0x1  }
0x8a: {  	s1 =	srdreg.scid  }
0x8b: {  	s0 =	sand.u32 $0x1, s1  }
0x8c: {  	s17 =	sshll.u32 s0, $0xA;
	s2 =	sadd.s32 s3, s2  }
0x8d: {  	s2 =	sadd.s32 s2, s17  }
0x8e: {  	[smem:$0x3FC6] =	sst s2  }
0x8f: {  	_ = 	snop  }
0x90: {  	s2 =	sld [smem:$0x3FC8]  }
0x91: {  	s18 =	sld [smem:$0x3FD0];
	(tm) =	ssettm $0x1  }
0x92: {  	s4 =	sld [smem:$0x3FFB];
	_ =	sdelay $0x3  }
0x93: {  	_ =	strace s4  }
0x94: {  	s4 =	sld [smem:$0x3FFC];
	_ =	sdelay $0x3  }
0x95: {  	_ =	strace s4  }
0x96: {  	s4 =	sld [smem:$0x3FFD];
	_ =	sdelay $0x3  }
0x97: {  	_ =	strace s4  }
0x98: {  	_ =	strace $0x8FFFFFFF  }
0x99: {  	s19 =	sld [smem:$0x3FDB];
	_ =	sdelay $0x1  }
0x9a: {  	s5 =	simm.s32 $_scs_section_size  }
0x9b: {  	s6 =	simm.s32 $_size__tile_overlayer_lowered;
	s7 =	simm.s32 $_tile_overlayer_lowered  }
0x9c: {  	s22 =	simm.s32 $0x1BFF;
	s21 =	sshll.u32 s7, $0x1;
	s4 =	sadd.s32 s5, s19  }
0x9d: {  	s8 =	simm.s32 $0x0;
	s20 =	sshll.u32 s6, $0x1;
	s6 =	sadd.s32 s21, s4  }
0x9e: {  	[timem:s8], [sflag:s22] =	dma.local [hbm:s6], s20  }
0x9f: {  	_ =	swait.ge [sflag:s22], s20  }
0xa0: {  	s5 =	ssub.s32 $0x0, s20;
	[sflag:s22] =	ssyncset.done $0x0  }
0xa1: {  	[sflag:s22] =	ssyncadd.s32 s5;
	_ =	sdelay $0x1  }
0xa2: {  	s23 =	simm.s32 $0x1B8B  }
0xa3: {  	_ =	swait.ge [sflag:s23], $0x1  }
0xa4: {  	[sflag:s23] =	ssyncset.done $0x0  }
0xa5: {  	s25 =	simm.s32 $0x1B8E;
	s24 =	sld [smem:$0x3FFE];
	[sflag:s23] =	ssyncadd.s32 $0xFFFFFFFF  }
0xa6: {  	s26 =	simm.s32 $execute0_lowered;
	[smem:$0x3FD2] =	sst s25  }
0xa7: {  	s6 =	sshll.u32 s26, $0x1;
	_ =	strace $0x80000046;
	[dreg:$0x1] =	wrdreg $0xFFFFFFFF  }
0xa8: {  	s28 =	simm.s32 $_size_execute0_lowered;
	s4 =	sadd.s32 s4, s6;
	[dreg:$0x0] =	wrdreg $0x0  }
0xa9: {  	s6 =	sshll.u32 s28, $0x1;
	[dreg:$0x2] =	wrdreg s4  }
0xaa: {  	[dreg:$0x3] =	wrdreg s6  }
0xab: {  	[dreg:$0x4] =	wrdreg $0xC0  }
0xac: {  	_ =	task [dreg:s8], $0x5FFFF  }
0xad: {  	[dreg:$0x1] =	wrdreg $0xFFFFFFFF  }
0xae: {  	[dreg:$0x0] =	wrdreg $0x60  }
0xaf: {  	[dreg:$0x2] =	wrdreg s24  }
0xb0: {  	[dreg:$0x3] =	wrdreg s2  }
0xb1: {  	[dreg:$0x4] =	wrdreg s18  }
0xb2: {  	[dreg:$0x5] =	wrdreg $0x40000  }
0xb3: {  	[dreg:$0x6] =	wrdreg $0x9  }
0xb4: {  	_ =	task.clear_ibuf [dreg:s8], $0x7FFFF;
	_ =	strace $0x90000046  }
0xb5: {  	s29 =	simm.s32 $0x9;
	_ =	strace $0x80000048  }
0xb6: {  	_ =	swait.ge [sflag:s29], $0x1  }
0xb7: {  	[sflag:s29] =	ssyncadd.s32 $0xFFFFFFFF  }
0xb8: {  	_ =	strace $0x90000048  }
0xb9: {  	_ =	sfence  }
0xba: {  	s30 =	sld [smem:$0x0];
	_ =	sdelay $0x2  }
0xbb: {  	s31 =	sshll.u32 s1, $0xD;
	s1 =	sshrl.u32 s1, $0x2  }
0xbc: {  	s3 =	sand.u32 $0x4000, s31;
	s1 =	sadd.s32 s1, s30  }
0xbd: {  	s0 =	sor.u32 s3, s0;
	s1 =	sshll.u32 s1, $0x11  }
0xbe: {  	s0 =	sor.u32 s1, s0  }
0xbf: {  	s0 =	sadd.s32 $0x8F2B, s0  }
0xc0: {  	[sflag:s0] =	ssyncadd.remote.s32 $0x1  }
0xc1: {  	_ =	sfence.sel $0xFFFF  }
0xc2: {  	[dreg:$0x0] =	wrdreg $0xFFFFFFFF;
	(pc) =	sbr.abs _section_cstart, $3  }
0xc3: {  	[dreg:$0x1] =	wrdreg $0xFFFFFFFF  }
0xc4: {  	_ =	task.clear_ibuf [dreg:s8], $0x2FFFF;
	_ =	strace $0x9FFFFFFF  }
0xc5: {  	(tm) =	ssettm $0x7FFFFFFF  }
tec
execute0_lowered:
.L_overlay_start_1:
0x0: {  	(tag) =	ssettag $0x1  }
0x1: {  	s0 =	rddreg [dreg:$0x0]  }
0x2: {  	s10 =	rddreg [dreg:$0x1]  }
0x3: {  	s1 =	rddreg [dreg:$0x2]  }
0x4: {  	s2 =	rddreg [dreg:$0x3];
	s4 =	srdreg.scid  }
0x5: {  	s5 =	stileid.u32;
	s3 =	simm.s32 $0x0;
	s28 =	simm.s32 $0xBB20  }
0x6: {  	s29 =	simm.s32 $0x1;
	s31 =	simm.s32 $0xE320;
	s30 =	simm.s32 $0x8  }
0x7: {  	s4 =	sand.u32 $0x1, s4;
	s6 =	sshll.u32 s5, $0x1;
	[smem:$0x7FF] =	sst s3  }
0x8: {  	s18 =	sadd.s32 $0x500, s10;
	s19 =	sadd.s32 $0x2800, s2;
	s24 =	smul.u32 $0x4E200, s5  }
0x9: {  	p0 =	sne.s32 s5, $0x0;
	s6 =	sor.u32 s4, s6;
	s8 =	ssub.s32 $0x2, s4  }
0xa: {  	_ =	strace $0x80000047;
	[dreg:$0x5] =	wrdreg s18;
	s4 =	smul.u32 $0x27100, s4  }
0xb: {  	s5 =	simm.s32 $0x9;
	[dreg:$0x6] =	wrdreg s19;
	s9 =	smul.u32 $0x138800, s6  }
0xc: {  	s7 =	sshll.u32 s6, $0xB;
	s16 =	sshrl.u32 s8, $0x1;
	s6 =	smul.u32 $0x27100, s6  }
0xd: {  	s19 =	simm.s32 $0xB;
	s0 =	sadd.s32 s7, s0;
	s7 =	ssub.s32 s8, s16  }
0xe: {  	s17 =	sshrl.u32 s9, $0x3;
	s0 =	sadd.s32 $0x400, s0;
	s20 =	sadd.s32 s1, s6  }
0xf: {  	s6 =	simm.s32 $0xA;
	s8 =	sadd.s32 s1, s17;
	[dreg:$0x7] =	wrdreg s0  }
0x10: {  	[dreg:$0x8] =	wrdreg s20;
	s0 =	sadd.s32 s24, s1;
	s17 =	smax.u32 s7, $0x1  }
0x11: {  	s20 =	simm.s32 $0x50;
	s1 =	simm.s32 $0x6;
	s24 =	simm.s32 $0x3  }
0x12: {  	s7 =	simm.s32 $0x0;
	s21 =	sadd.s32 $0x500, s8;
	s22 =	sadd.s32 $0xA00, s8  }
0x13: {  	s23 =	sadd.s32 $0xF00, s8;
	s25 =	sadd.s32 $0x1400, s8;
	[dreg:$0x9] =	wrdreg s21  }
0x14: {  	s26 =	sadd.s32 $0x25800, s8;
	s13 =	sadd.s32 $0x25D00, s8;
	[dreg:$0xa] =	wrdreg s22  }
0x15: {  	s14 =	sadd.s32 $0x26200, s8;
	s15 =	sadd.s32 $0x26700, s8;
	[dreg:$0xb] =	wrdreg s23  }
0x16: {  	s16 =	sadd.s32 $0x26C00, s8;
	s0 =	sadd.s32 s4, s0;
	[dreg:$0xc] =	wrdreg s25  }
0x17: {  	s4 =	simm.s32 $0x5;
	[dreg:$0xd] =	wrdreg s26;
	s18 =	sadd.s32 $0x1900, s0  }
0x18: {  	s21 =	simm.s32 $0x4320;
	s23 =	simm.s32 $0x6B20;
	s25 =	simm.s32 $0x9320  }
0x19: {  	s0 =	simm.s32 $0x2;
	s26 =	simm.s32 $0x7;
	s22 =	simm.s32 $0x4  }
.LBB2_1:
0x1a: {  	s8 =	simm.s32 @!p0 $0x0;
	s9 =	simm.s32 @!p0 $0x4320;
	s10 =	rddreg [dreg:$0x1]  }
0x1b: {  	[tilespmem:s9], [sflag:$0xB] =	stream.linear.gather @!p0 [hbm4b:s10+s8], $0x2800, $0x38;
	[tilespmem:$0x10B20] =	vst v63  }
0x1c: {  	s10 =	simm.s32 @!p0 $0xB  }
0x1d: {  	_ =	swait.ge @!p0 [sflag:s10], $0x2800  }
0x1e: {  	[sflag:s10] =	ssyncset.done @!p0 $0x0  }
0x1f: {  	s11 =	simm.s32 @!p0 $0x6B20;
	s12 =	rddreg [dreg:$0x5];
	[sflag:s10] =	ssyncadd.s32 @!p0 $0xFFFFD800  }
0x20: {  	[tilespmem:s11], [sflag:$0xB] =	stream.linear.gather @!p0 [hbm4b:s12+s8], $0xA00, $0x38;
	[tilespmem:$0x10B20] =	vst v63  }
0x21: {  	_ =	swait.ge @!p0 [sflag:s10], $0xA00  }
0x22: {  	[sflag:s10] =	ssyncset.done @!p0 $0x0  }
0x23: {  	[sflag:s10] =	ssyncadd.s32 @!p0 $0xFFFFF600  }
0x24: {  	[spmem:s2] =	stream.linear.scatter @!p0 [tilespmem:s9], [sflag:$0xB], $0x2800, $0x38;
	[tilespmem:$0x10B20] =	vst v63  }
0x25: {  	_ =	swait.ge @!p0 [sflag:s10], $0x2800  }
0x26: {  	[sflag:s10] =	ssyncset.done @!p0 $0x0  }
0x27: {  	s8 =	rddreg [dreg:$0x6];
	[sflag:s10] =	ssyncadd.s32 @!p0 $0xFFFFD800  }
0x28: {  	[spmem:s8] =	stream.linear.scatter @!p0 [tilespmem:s11], [sflag:$0xB], $0xA00, $0x38;
	[tilespmem:$0x10B20] =	vst v63  }
0x29: {  	_ =	swait.ge @!p0 [sflag:s10], $0xA00  }
0x2a: {  	[sflag:s10] =	ssyncset.done @!p0 $0x0  }
0x2b: {  	s12 =	rddreg [dreg:$0x7];
	[sflag:s10] =	ssyncadd.s32 @!p0 $0xFFFFF600  }
0x2c: {  	[tilespmem:s3], [sflag:$0xB] =	stream.linear.gather [hbm4b:s12+s3], $0x3E80, $0x38;
	[tilespmem:$0x10B20] =	vst v63  }
0x2d: {  	_ =	swait.ge [sflag:s19], $0x3E80  }
0x2e: {  	[sflag:s19] =	ssyncset.done $0x0  }
0x2f: {  	[sflag:s19] =	ssyncadd.s32 $0xFFFFC180  }
0x30: {  	[bflag:$0x0] =	sbarrier.arrive $0xFFFF  }
0x31: {  	[tilespmem:s21], [sflag:$0x1] =	stream.indirect.gather [spmem:s2], $0x80, s3, s20, $0xb8;
	[tilespmem:$0x10B20] =	vst v63  }
0x32: {  	s9 =	simm.s32 $0x80  }
0x33: {  	[tilespmem:s23], [sflag:$0x2] =	stream.indirect.gather [spmem:s2], $0x80, s9, s20, $0xb8;
	[tilespmem:$0x10B20] =	vst v63  }
0x34: {  	s10 =	simm.s32 $0x100  }
0x35: {  	[tilespmem:s25], [sflag:$0x3] =	stream.indirect.gather [spmem:s2], $0x80, s10, s20, $0xb8;
	[tilespmem:$0x10B20] =	vst v63  }
0x36: {  	s11 =	simm.s32 $0x180  }
0x37: {  	[tilespmem:s28], [sflag:$0x4] =	stream.indirect.gather [spmem:s2], $0x80, s11, s20, $0xb8;
	[tilespmem:$0x10B20] =	vst v63  }
0x38: {  	_ =	swait.ge [sflag:s29], $0x2800  }
0x39: {  	[sflag:s29] =	ssyncset.done $0x0  }
0x3a: {  	s12 =	rddreg [dreg:$0x8];
	[sflag:s29] =	ssyncadd.s32 $0xFFFFD800  }
0x3b: {  	[hbm4b:s12+s3] =	stream.linear.scatter [tilespmem:s21], [sflag:$0x6], $0x2800, $0x38;
	[tilespmem:$0x10B20] =	vst v63  }
0x3c: {  	s9 =	simm.s32 $0x200  }
0x3d: {  	[tilespmem:s31], [sflag:$0x5] =	stream.indirect.gather [spmem:s2], $0x80, s9, s20, $0xb8;
	[tilespmem:$0x10B20] =	vst v63  }
0x3e: {  	_ =	swait.ge [sflag:s0], $0x2800  }
0x3f: {  	[sflag:s0] =	ssyncset.done $0x0  }
0x40: {  	s10 =	rddreg [dreg:$0x9];
	[sflag:s0] =	ssyncadd.s32 $0xFFFFD800  }
0x41: {  	[hbm4b:s10+s3] =	stream.linear.scatter [tilespmem:s23], [sflag:$0x7], $0x2800, $0x38;
	[tilespmem:$0x10B20] =	vst v63  }
0x42: {  	_ =	swait.ge [sflag:s1], $0x2800  }
0x43: {  	[sflag:s1] =	ssyncset.done $0x0  }
0x44: {  	s11 =	simm.s32 $0x280;
	[sflag:s1] =	ssyncadd.s32 $0xFFFFD800  }
0x45: {  	[tilespmem:s21], [sflag:$0x1] =	stream.indirect.gather [spmem:s2], $0x80, s11, s20, $0xb8;
	[tilespmem:$0x10B20] =	vst v63  }
0x46: {  	_ =	swait.ge [sflag:s24], $0x2800  }
0x47: {  	[sflag:s24] =	ssyncset.done $0x0  }
0x48: {  	s12 =	rddreg [dreg:$0xa];
	[sflag:s24] =	ssyncadd.s32 $0xFFFFD800  }
0x49: {  	[hbm4b:s12+s3] =	stream.linear.scatter [tilespmem:s25], [sflag:$0x8], $0x2800, $0x38;
	[tilespmem:$0x10B20] =	vst v63  }
0x4a: {  	_ =	swait.ge [sflag:s26], $0x2800  }
0x4b: {  	[sflag:s26] =	ssyncset.done $0x0  }
0x4c: {  	s9 =	simm.s32 $0x300;
	[sflag:s26] =	ssyncadd.s32 $0xFFFFD800  }
0x4d: {  	[tilespmem:s23], [sflag:$0x2] =	stream.indirect.gather [spmem:s2], $0x80, s9, s20, $0xb8;
	[tilespmem:$0x10B20] =	vst v63  }
0x4e: {  	_ =	swait.ge [sflag:s22], $0x2800  }
0x4f: {  	[sflag:s22] =	ssyncset.done $0x0  }
0x50: {  	s10 =	rddreg [dreg:$0xb];
	[sflag:s22] =	ssyncadd.s32 $0xFFFFD800  }
0x51: {  	[hbm4b:s10+s3] =	stream.linear.scatter [tilespmem:s28], [sflag:$0x9], $0x2800, $0x38;
	[tilespmem:$0x10B20] =	vst v63  }
0x52: {  	_ =	swait.ge [sflag:s30], $0x2800  }
0x53: {  	[sflag:s30] =	ssyncset.done $0x0  }
0x54: {  	s11 =	simm.s32 $0x380;
	[sflag:s30] =	ssyncadd.s32 $0xFFFFD800  }
0x55: {  	[tilespmem:s25], [sflag:$0x3] =	stream.indirect.gather [spmem:s2], $0x80, s11, s20, $0xb8;
	[tilespmem:$0x10B20] =	vst v63  }
0x56: {  	_ =	swait.ge [sflag:s4], $0x2800  }
0x57: {  	[sflag:s4] =	ssyncset.done $0x0  }
0x58: {  	s12 =	rddreg [dreg:$0xc];
	[sflag:s4] =	ssyncadd.s32 $0xFFFFD800  }
0x59: {  	[hbm4b:s12+s3] =	stream.linear.scatter [tilespmem:s31], [sflag:$0xA], $0x2800, $0x38;
	[tilespmem:$0x10B20] =	vst v63  }
0x5a: {  	_ =	swait.ge [sflag:s29], $0x2800  }
0x5b: {  	[sflag:s29] =	ssyncset.done $0x0  }
0x5c: {  	[sflag:s29] =	ssyncadd.s32 $0xFFFFD800  }
0x5d: {  	[hbm4b:s18+s3] =	stream.linear.scatter [tilespmem:s21], [sflag:$0x6], $0x2800, $0x38;
	[tilespmem:$0x10B20] =	vst v63  }
0x5e: {  	_ =	swait.ge [sflag:s5], $0x2800  }
0x5f: {  	[sflag:s5] =	ssyncset.done $0x0  }
0x60: {  	s9 =	simm.s32 $0x400;
	[sflag:s5] =	ssyncadd.s32 $0xFFFFD800  }
0x61: {  	[tilespmem:s28], [sflag:$0x4] =	stream.indirect.gather [spmem:s2], $0x80, s9, s20, $0xb8;
	[tilespmem:$0x10B20] =	vst v63  }
0x62: {  	_ =	swait.ge [sflag:s0], $0x2800  }
0x63: {  	[sflag:s0] =	ssyncset.done $0x0  }
0x64: {  	s10 =	sadd.s32 $0x500, s18;
	[sflag:s0] =	ssyncadd.s32 $0xFFFFD800  }
0x65: {  	[hbm4b:s10+s3] =	stream.linear.scatter [tilespmem:s23], [sflag:$0x7], $0x2800, $0x38;
	[tilespmem:$0x10B20] =	vst v63  }
0x66: {  	_ =	swait.ge [sflag:s6], $0x2800  }
0x67: {  	[sflag:s6] =	ssyncset.done $0x0  }
0x68: {  	s11 =	simm.s32 $0x480;
	[sflag:s6] =	ssyncadd.s32 $0xFFFFD800  }
0x69: {  	[tilespmem:s31], [sflag:$0x5] =	stream.indirect.gather [spmem:s2], $0x80, s11, s20, $0xb8;
	[tilespmem:$0x10B20] =	vst v63  }
0x6a: {  	_ =	swait.ge [sflag:s24], $0x2800  }
0x6b: {  	[sflag:s24] =	ssyncset.done $0x0  }
0x6c: {  	s12 =	sadd.s32 $0xA00, s18;
	[sflag:s24] =	ssyncadd.s32 $0xFFFFD800  }
0x6d: {  	[hbm4b:s12+s3] =	stream.linear.scatter [tilespmem:s25], [sflag:$0x8], $0x2800, $0x38;
	[tilespmem:$0x10B20] =	vst v63  }
0x6e: {  	_ =	swait.ge [sflag:s1], $0x2800  }
0x6f: {  	[sflag:s1] =	ssyncset.done $0x0  }
0x70: {  	s9 =	simm.s32 $0x500;
	[sflag:s1] =	ssyncadd.s32 $0xFFFFD800  }
0x71: {  	[tilespmem:s21], [sflag:$0x1] =	stream.indirect.gather [spmem:s2], $0x80, s9, s20, $0xb8;
	[tilespmem:$0x10B20] =	vst v63  }
0x72: {  	_ =	swait.ge [sflag:s22], $0x2800  }
0x73: {  	[sflag:s22] =	ssyncset.done $0x0  }
0x74: {  	s10 =	sadd.s32 $0xF00, s18;
	[sflag:s22] =	ssyncadd.s32 $0xFFFFD800  }
0x75: {  	[hbm4b:s10+s3] =	stream.linear.scatter [tilespmem:s28], [sflag:$0x9], $0x2800, $0x38;
	[tilespmem:$0x10B20] =	vst v63  }
0x76: {  	_ =	swait.ge [sflag:s26], $0x2800  }
0x77: {  	[sflag:s26] =	ssyncset.done $0x0  }
0x78: {  	s11 =	simm.s32 $0x580;
	[sflag:s26] =	ssyncadd.s32 $0xFFFFD800  }
0x79: {  	[tilespmem:s23], [sflag:$0x2] =	stream.indirect.gather [spmem:s2], $0x80, s11, s20, $0xb8;
	[tilespmem:$0x10B20] =	vst v63  }
0x7a: {  	_ =	swait.ge [sflag:s4], $0x2800  }
0x7b: {  	[sflag:s4] =	ssyncset.done $0x0  }
0x7c: {  	s12 =	sadd.s32 $0x1400, s18;
	[sflag:s4] =	ssyncadd.s32 $0xFFFFD800  }
0x7d: {  	[hbm4b:s12+s3] =	stream.linear.scatter [tilespmem:s31], [sflag:$0xA], $0x2800, $0x38;
	[tilespmem:$0x10B20] =	vst v63  }
0x7e: {  	_ =	swait.ge [sflag:s30], $0x2800  }
0x7f: {  	s8 =	simm.s32 $0xA00;
	[sflag:s30] =	ssyncset.done $0x0  }
0x80: {  	s9 =	sadd.s32 $0x1900, s18;
	s10 =	simm.s32 $0x600;
	[sflag:s30] =	ssyncadd.s32 $0xFFFFD800  }
.LBB2_2:
0x81: {  	[tilespmem:s25], [sflag:$0x3] =	stream.indirect.gather [spmem:s2], $0x80, s10, s20, $0xb8;
	[tilespmem:$0x10B20] =	vst v63  }
0x82: {  	s10 =	smov.u32 s8  }
0x83: {  	p1 =	sne.s32 s8, $0xDC00;
	s8 =	sadd.s32 $0xA00, s8;
	_ =	swait.ge [sflag:s29], $0x2800  }
0x84: {  	[sflag:s29] =	ssyncset.done $0x0  }
0x85: {  	[sflag:s29] =	ssyncadd.s32 $0xFFFFD800  }
0x86: {  	[hbm4b:s9+s3] =	stream.linear.scatter [tilespmem:s21], [sflag:$0x6], $0x2800, $0x38;
	[tilespmem:$0x10B20] =	vst v63  }
0x87: {  	_ =	swait.ge [sflag:s5], $0x2800  }
0x88: {  	s10 =	sshra.s32 s10, $0x2;
	[sflag:s5] =	ssyncset.done $0x0  }
0x89: {  	s11 =	sadd.s32 $0x400, s10;
	[sflag:s5] =	ssyncadd.s32 $0xFFFFD800  }
0x8a: {  	[tilespmem:s28], [sflag:$0x4] =	stream.indirect.gather [spmem:s2], $0x80, s11, s20, $0xb8;
	[tilespmem:$0x10B20] =	vst v63  }
0x8b: {  	_ =	swait.ge [sflag:s0], $0x2800  }
0x8c: {  	[sflag:s0] =	ssyncset.done $0x0  }
0x8d: {  	s11 =	sadd.s32 $0x500, s9;
	[sflag:s0] =	ssyncadd.s32 $0xFFFFD800  }
0x8e: {  	[hbm4b:s11+s3] =	stream.linear.scatter [tilespmem:s23], [sflag:$0x7], $0x2800, $0x38;
	[tilespmem:$0x10B20] =	vst v63  }
0x8f: {  	_ =	swait.ge [sflag:s6], $0x2800  }
0x90: {  	[sflag:s6] =	ssyncset.done $0x0  }
0x91: {  	s11 =	sadd.s32 $0x480, s10;
	[sflag:s6] =	ssyncadd.s32 $0xFFFFD800  }
0x92: {  	[tilespmem:s31], [sflag:$0x5] =	stream.indirect.gather [spmem:s2], $0x80, s11, s20, $0xb8;
	[tilespmem:$0x10B20] =	vst v63  }
0x93: {  	_ =	swait.ge [sflag:s24], $0x2800  }
0x94: {  	[sflag:s24] =	ssyncset.done $0x0  }
0x95: {  	s11 =	sadd.s32 $0xA00, s9;
	[sflag:s24] =	ssyncadd.s32 $0xFFFFD800  }
0x96: {  	[hbm4b:s11+s3] =	stream.linear.scatter [tilespmem:s25], [sflag:$0x8], $0x2800, $0x38;
	[tilespmem:$0x10B20] =	vst v63  }
0x97: {  	_ =	swait.ge [sflag:s1], $0x2800  }
0x98: {  	[sflag:s1] =	ssyncset.done $0x0  }
0x99: {  	s11 =	sadd.s32 $0x500, s10;
	[sflag:s1] =	ssyncadd.s32 $0xFFFFD800  }
0x9a: {  	[tilespmem:s21], [sflag:$0x1] =	stream.indirect.gather [spmem:s2], $0x80, s11, s20, $0xb8;
	[tilespmem:$0x10B20] =	vst v63  }
0x9b: {  	_ =	swait.ge [sflag:s22], $0x2800  }
0x9c: {  	[sflag:s22] =	ssyncset.done $0x0  }
0x9d: {  	s11 =	sadd.s32 $0xF00, s9;
	[sflag:s22] =	ssyncadd.s32 $0xFFFFD800  }
0x9e: {  	[hbm4b:s11+s3] =	stream.linear.scatter [tilespmem:s28], [sflag:$0x9], $0x2800, $0x38;
	[tilespmem:$0x10B20] =	vst v63  }
0x9f: {  	_ =	swait.ge [sflag:s26], $0x2800  }
0xa0: {  	[sflag:s26] =	ssyncset.done $0x0  }
0xa1: {  	s11 =	sadd.s32 $0x580, s10;
	[sflag:s26] =	ssyncadd.s32 $0xFFFFD800  }
0xa2: {  	[tilespmem:s23], [sflag:$0x2] =	stream.indirect.gather [spmem:s2], $0x80, s11, s20, $0xb8;
	[tilespmem:$0x10B20] =	vst v63  }
0xa3: {  	_ =	swait.ge [sflag:s4], $0x2800  }
0xa4: {  	[sflag:s4] =	ssyncset.done $0x0  }
.Ltmp0:
0xa5: {  	s11 =	sadd.s32 $0x1400, s9;
	[sflag:s4] =	ssyncadd.s32 $0xFFFFD800;
	(pc) =	sbr.rel @p1 .LBB2_2-.Ltmp0, $4  }
0xa6: {  	[hbm4b:s11+s3] =	stream.linear.scatter [tilespmem:s31], [sflag:$0xA], $0x2800, $0x38;
	[tilespmem:$0x10B20] =	vst v63  }
0xa7: {  	_ =	swait.ge [sflag:s30], $0x2800  }
0xa8: {  	[sflag:s30] =	ssyncset.done $0x0  }
0xa9: {  	s10 =	sadd.s32 $0x600, s10;
	s9 =	sadd.s32 $0x1900, s9;
	[sflag:s30] =	ssyncadd.s32 $0xFFFFD800  }
0xaa: {  	[tilespmem:s25], [sflag:$0x3] =	stream.indirect.gather [spmem:s2], $0x80, s10, s20, $0xb8;
	[tilespmem:$0x10B20] =	vst v63  }
0xab: {  	_ =	swait.ge [sflag:s5], $0x2800  }
0xac: {  	[sflag:s5] =	ssyncset.done $0x0  }
0xad: {  	s8 =	simm.s32 $0x3D80;
	[sflag:s5] =	ssyncadd.s32 $0xFFFFD800  }
0xae: {  	[tilespmem:s28], [sflag:$0x4] =	stream.indirect.gather [spmem:s2], $0x80, s8, s20, $0xb8;
	[tilespmem:$0x10B20] =	vst v63  }
0xaf: {  	_ =	swait.ge [sflag:s29], $0x2800  }
0xb0: {  	[sflag:s29] =	ssyncset.done $0x0  }
0xb1: {  	s11 =	rddreg [dreg:$0xd];
	[sflag:s29] =	ssyncadd.s32 $0xFFFFD800  }
0xb2: {  	[hbm4b:s11+s3] =	stream.linear.scatter [tilespmem:s21], [sflag:$0x6], $0x2800, $0x38;
	[tilespmem:$0x10B20] =	vst v63  }
0xb3: {  	_ =	swait.ge [sflag:s6], $0x2800  }
0xb4: {  	[sflag:s6] =	ssyncset.done $0x0  }
0xb5: {  	s12 =	simm.s32 $0x3E00;
	[sflag:s6] =	ssyncadd.s32 $0xFFFFD800  }
0xb6: {  	[tilespmem:s31], [sflag:$0x5] =	stream.indirect.gather [spmem:s2], $0x80, s12, s20, $0xb8;
	[tilespmem:$0x10B20] =	vst v63  }
0xb7: {  	_ =	swait.ge [sflag:s0], $0x2800  }
0xb8: {  	[sflag:s0] =	ssyncset.done $0x0  }
0xb9: {  	[sflag:s0] =	ssyncadd.s32 $0xFFFFD800  }
0xba: {  	[hbm4b:s13+s3] =	stream.linear.scatter [tilespmem:s23], [sflag:$0x7], $0x2800, $0x38;
	[tilespmem:$0x10B20] =	vst v63  }
0xbb: {  	_ =	swait.ge [sflag:s24], $0x2800  }
0xbc: {  	[sflag:s24] =	ssyncset.done $0x0  }
0xbd: {  	[sflag:s24] =	ssyncadd.s32 $0xFFFFD800  }
0xbe: {  	[hbm4b:s14+s3] =	stream.linear.scatter [tilespmem:s25], [sflag:$0x8], $0x2800, $0x38;
	[tilespmem:$0x10B20] =	vst v63  }
0xbf: {  	_ =	swait.ge [sflag:s22], $0x2800  }
0xc0: {  	[sflag:s22] =	ssyncset.done $0x0  }
0xc1: {  	[sflag:s22] =	ssyncadd.s32 $0xFFFFD800  }
0xc2: {  	[hbm4b:s15+s3] =	stream.linear.scatter [tilespmem:s28], [sflag:$0x9], $0x2800, $0x38;
	[tilespmem:$0x10B20] =	vst v63  }
0xc3: {  	_ =	swait.ge [sflag:s4], $0x2800  }
0xc4: {  	[sflag:s4] =	ssyncset.done $0x0  }
0xc5: {  	[sflag:s4] =	ssyncadd.s32 $0xFFFFD800  }
0xc6: {  	[hbm4b:s16+s3] =	stream.linear.scatter [tilespmem:s31], [sflag:$0xA], $0x2800, $0x38;
	[tilespmem:$0x10B20] =	vst v63  }
0xc7: {  	_ =	swait.ge [sflag:s1], $0x2800  }
0xc8: {  	[sflag:s1] =	ssyncset.done $0x0  }
0xc9: {  	[sflag:s1] =	ssyncadd.s32 $0xFFFFD800  }
0xca: {  	_ =	swait.ge [sflag:s26], $0x2800  }
0xcb: {  	[sflag:s26] =	ssyncset.done $0x0  }
0xcc: {  	[sflag:s26] =	ssyncadd.s32 $0xFFFFD800  }
0xcd: {  	_ =	swait.ge [sflag:s30], $0x2800  }
0xce: {  	[sflag:s30] =	ssyncset.done $0x0  }
0xcf: {  	s7 =	sadd.s32 $0x1, s7;
	[sflag:s30] =	ssyncadd.s32 $0xFFFFD800  }
0xd0: {  	p1 =	sne.s32 s7, s17;
	_ =	swait.ge [sflag:s5], $0x2800  }
.Ltmp1:
0xd1: {  	[sflag:s5] =	ssyncset.done $0x0;
	(pc) =	sbr.rel @p1 .LBB2_1-.Ltmp1, $4  }
0xd2: {  	[sflag:s5] =	ssyncadd.s32 $0xFFFFD800  }
0xd3: {  	_ =	swait.ge [sflag:s6], $0x2800  }
0xd4: {  	[sflag:s6] =	ssyncset.done $0x0  }
0xd5: {  	[sflag:s6] =	ssyncadd.s32 $0xFFFFD800  }
0xd6: {  	_ =	sfence.sel $0x180000  }
0xd7: {  	[bflag:$0x0] =	sbarrier.arrive $0xFFFF  }
0xd8: {  	_ =	strace $0x90000047  }
0xd9: {  	[bflag:$0x2] =	sbarrier.arrive $0xFFFF  }
0xda: {  	s0 =	rddreg [dreg:$0x4]  }
0xdb: {  	s0 =	sadd.s32 @!p0 $0x100000, s0  }
0xdc: {  	[sflag:s0] =	ssyncadd.tile.s32 @!p0 $0x1;
	_ =	shalt  }
.Lfunc_end2:
_tile_overlayer_lowered:
.L_overlay_start_2:
0xdd: {  	(tag) =	ssettag $0x2  }
0xde: {  	s0 =	rddreg [dreg:$0x0];
	s2 =	stileid.u32  }
0xdf: {  	s1 =	rddreg [dreg:$0x1];
	p0 =	sne.s32 s2, $0x0  }
0xe0: {  	s3 =	rddreg [dreg:$0x2];
	[bflag:$0x3] =	sbarrier.arrive $0xFFFF;
	s2 =	simm.s32 @!p0 $0x1C0B  }
0xe1: {  	[timem:s3], [sflag:s2] =	dma.local @!p0 [hbm:s0], s1  }
0xe2: {  	s0 =	simm.s32 @!p0 $0xB  }
0xe3: {  	_ =	swait.ge @!p0 [sflag:s0], s1  }
0xe4: {  	s1 =	ssub.s32 @!p0 $0x0, s1;
	[sflag:s0] =	ssyncset.done @!p0 $0x0  }
0xe5: {  	[sflag:s0] =	ssyncadd.s32 @!p0 s1  }
0xe6: {  	[bflag:$0x3] =	sbarrier.arrive $0xFFFF  }
0xe7: {  	_ =	shalt  }

</sc_bundles>
